<compile_context>
chip_gen: v7x
topology: tpu7x:2x2x1
jax: 0.10.2.dev20260603
libtpu: 0.0.44.dev20260713+nightly
codegen_flags: <defaults>
</compile_context>

<pallas_src>
import functools

import jax
import jax.numpy as jnp
from jax import lax
from jax.experimental import pallas as pl
from jax.experimental.pallas import tpu as pltpu
from jax.experimental.pallas import tpu_sc as plsc

_NUM_WORKERS = 32
_TILES = 16
_NBUF = 6
_LOOKAHEAD = 4
_CPS = 2


@functools.cache
def _make_gather(batch: int, seq: int, embed: int, table_rows: int):
    assert batch % _NUM_WORKERS == 0 and _LOOKAHEAD < _NBUF
    assert table_rows % (_TILES * 8) == 0
    bpw = batch // _NUM_WORKERS
    chunk = bpw // _CPS
    nchunks = seq * _CPS
    stage_blk = table_rows // _TILES

    mesh = plsc.VectorSubcoreMesh(core_axis_name="c", subcore_axis_name="s")

    @functools.partial(
        pl.kernel,
        mesh=mesh,
        out_type=jax.ShapeDtypeStruct((seq, batch, embed), jnp.float32),
        scratch_types=[
            pltpu.VMEM((seq, bpw), jnp.int32),
            pltpu.VMEM_SHARED((table_rows, embed), jnp.float32),
        ]
        + [pltpu.VMEM((chunk, embed), jnp.float32) for _ in range(_NBUF)]
        + [pltpu.SemaphoreType.DMA for _ in range(2 * _NBUF)],
    )
    def gather_kernel(idx_hbm, table_hbm, out_hbm, idx_v, table_sh, *bufs_and_sems):
        rows = bufs_and_sems[:_NBUF]
        gsem = bufs_and_sems[_NBUF : 2 * _NBUF]
        wsem = bufs_and_sems[2 * _NBUF :]

        sid = lax.axis_index("s")
        wid = sid * 2 + lax.axis_index("c")
        base = wid * bpw

        pltpu.sync_copy(
            table_hbm.at[pl.ds(sid * stage_blk, stage_blk)],
            table_sh.at[pl.ds(sid * stage_blk, stage_blk)],
        )
        pltpu.sync_copy(idx_hbm.at[:, 0, pl.ds(base, bpw)], idx_v)
        plsc.subcore_barrier()

        def gather_copy(c, slot):
            return pltpu.make_async_copy(
                table_sh.at[idx_v.at[c // _CPS, pl.ds((c % _CPS) * chunk, chunk)]],
                rows[slot],
                gsem[slot],
            )

        def wb_copy(c, slot):
            return pltpu.make_async_copy(
                rows[slot],
                out_hbm.at[c // _CPS, pl.ds(base + (c % _CPS) * chunk, chunk)],
                wsem[slot],
            )

        for j in range(_LOOKAHEAD):
            gather_copy(j, j).start()

        def group(i, carry):
            for b in range(_NBUF):
                j = i * _NBUF + b

                @pl.when(j < nchunks)
                def _():
                    gather_copy(j, b).wait()
                    wb_copy(j, b).start()

                s2 = (b + _LOOKAHEAD) % _NBUF
                jn = j + _LOOKAHEAD

                @pl.when((jn >= _NBUF) & (jn < nchunks))
                def _():
                    wb_copy(jn - _NBUF, s2).wait()

                @pl.when(jn < nchunks)
                def _():
                    gather_copy(jn, s2).start()

            return carry

        lax.fori_loop(0, -(-nchunks // _NBUF), group, 0)

        for b in range(_NBUF):
            jj = nchunks - _NBUF + b
            wb_copy(jj, jj % _NBUF).wait()

    return gather_kernel


def kernel(cleavage_indices, pos_embed):
    b, s = cleavage_indices.shape
    embed = pos_embed.shape[1]
    bpw = b // _NUM_WORKERS
    idxT = cleavage_indices.astype(jnp.int32).T.reshape(s, 1, b)
    out = _make_gather(b, s, embed, pos_embed.shape[0])(idxT, pos_embed)
    return out.transpose(1, 0, 2)

# --- scband reference (transcript-rebuilt; emitter-appended) ---
"""Pipeline reference for scband-positional-encoder1-d-16630113370243 (READ-ONLY COPY).

The authoritative reference and input builder live on the scoring server;
editing this copy changes nothing except your own understanding.
"""

import math
import jax, jax.numpy as jnp
import numpy as np

EMBED_SIZE = 128
MAX_LEN = 8192
BATCH = 4096
SEQ = 50

def _build_pos_embed():
    position = np.arange(MAX_LEN, dtype=np.float32)[:, None]
    div_term = np.exp(np.arange(0, EMBED_SIZE, 2, dtype=np.float32) * (-math.log(10000.0) / EMBED_SIZE))
    pe = np.zeros((MAX_LEN, EMBED_SIZE), dtype=np.float32)
    pe[:, 0::2] = np.sin(position * div_term)
    pe[:, 1::2] = np.cos(position * div_term)
    return jnp.asarray(pe)

def setup_inputs(seed: int = 0) -> dict:
    key = jax.random.key(seed)
    cleavage_indices = jax.random.randint(key, (BATCH, SEQ), 0, MAX_LEN)
    pos_embed = _build_pos_embed()
    return {"cleavage_indices": cleavage_indices, "pos_embed": pos_embed}

def reference(cleavage_indices, pos_embed):
    # torch.gather over dim=1 of the expanded [B, max_len, E] table with index
    # repeated along the embed dim is exactly a row-gather from pos_embed.
    idx = cleavage_indices.astype(jnp.int32)
    out = jnp.take(pos_embed, idx, axis=0)  # [B, SEQ, EMBED_SIZE]
    return out

if __name__ == "__main__":
    import jax
    _d = setup_inputs()
    print(jax.jit(kernel)(*tuple(_d.values())))

</pallas_src>

<mosaic_0001>
#map = affine_map<(d0, d1) -> (0, 0, 0)>
#map1 = affine_map<(d0, d1) -> (0, 0)>
module attributes {stable_mosaic.version = 14 : i64} {
  func.func @gather_kernel(%arg0: i32, %arg1: i32, %arg2: memref<50x1x4096xi32, #tpu.memory_space<hbm>>, %arg3: memref<8192x128xf32, #tpu.memory_space<hbm>>, %arg4: memref<50x4096x128xf32, #tpu.memory_space<hbm>>, %arg5: memref<50x128xi32, #tpu.memory_space<vmem>>, %arg6: memref<8192x128xf32, #tpu.memory_space<vmem_shared>>, %arg7: memref<64x128xf32, #tpu.memory_space<vmem>>, %arg8: memref<64x128xf32, #tpu.memory_space<vmem>>, %arg9: memref<64x128xf32, #tpu.memory_space<vmem>>, %arg10: memref<64x128xf32, #tpu.memory_space<vmem>>, %arg11: memref<64x128xf32, #tpu.memory_space<vmem>>, %arg12: memref<64x128xf32, #tpu.memory_space<vmem>>, %arg13: memref<!tpu.dma_semaphore, #tpu.memory_space<semaphore_mem>>, %arg14: memref<!tpu.dma_semaphore, #tpu.memory_space<semaphore_mem>>, %arg15: memref<!tpu.dma_semaphore, #tpu.memory_space<semaphore_mem>>, %arg16: memref<!tpu.dma_semaphore, #tpu.memory_space<semaphore_mem>>, %arg17: memref<!tpu.dma_semaphore, #tpu.memory_space<semaphore_mem>>, %arg18: memref<!tpu.dma_semaphore, #tpu.memory_space<semaphore_mem>>, %arg19: memref<!tpu.dma_semaphore, #tpu.memory_space<semaphore_mem>>, %arg20: memref<!tpu.dma_semaphore, #tpu.memory_space<semaphore_mem>>, %arg21: memref<!tpu.dma_semaphore, #tpu.memory_space<semaphore_mem>>, %arg22: memref<!tpu.dma_semaphore, #tpu.memory_space<semaphore_mem>>, %arg23: memref<!tpu.dma_semaphore, #tpu.memory_space<semaphore_mem>>, %arg24: memref<!tpu.dma_semaphore, #tpu.memory_space<semaphore_mem>>) attributes {dimension_semantics = [#tpu.dimension_semantics<core_parallel>, #tpu.dimension_semantics<subcore_parallel>], iteration_bounds = array<i64: 2, 16>, scalar_prefetch = 0 : i64, scratch_operands = 20 : i64, tpu.core_type = #tpu.core_type<sc_vector_subcore>, window_params = [{transform_indices = #map}, {transform_indices = #map1}, {transform_indices = #map}]} {
    %mul3A = arith.constant 2 : i32
    %mul3A_0 = arith.muli %arg1, %mul3A : i32
    %add3A = arith.addi %mul3A_0, %arg0 : i32
    %mul3A_1 = arith.constant 128 : i32
    %mul3A_2 = arith.muli %add3A, %mul3A_1 : i32
    %mul3A_3 = arith.constant 512 : i32
    %mul3A_4 = arith.muli %arg1, %mul3A_3 : i32
    %mul3A_5 = arith.constant 512 : i32
    %mul3A_6 = arith.muli %arg1, %mul3A_5 : i32
    "tpu.region"() ({
      %run_scoped3A_92 = tpu.sem_alloc : memref<!tpu.dma_semaphore, #tpu.memory_space<semaphore_mem>>
      %dma_start3A_93 = arith.constant 0 : i32
      %dma_start3A_94 = tpu.memref_slice %arg6[%mul3A_6, %dma_start3A_93] : memref<8192x128xf32, #tpu.memory_space<vmem_shared>> -> memref<512x128xf32, #tpu.memory_space<vmem_shared>>
      %dma_start3A_95 = arith.constant 0 : i32
      %dma_start3A_96 = tpu.memref_slice %arg3[%mul3A_4, %dma_start3A_95] : memref<8192x128xf32, #tpu.memory_space<hbm>> -> memref<512x128xf32, #tpu.memory_space<hbm>>
      tpu.enqueue_dma source(%dma_start3A_96 : memref<512x128xf32, #tpu.memory_space<hbm>>) target(%dma_start3A_94 : memref<512x128xf32, #tpu.memory_space<vmem_shared>>) target_semaphore(%run_scoped3A_92 : memref<!tpu.dma_semaphore, #tpu.memory_space<semaphore_mem>>)
      %dma_wait3A_97 = arith.constant 0 : i32
      %dma_wait3A_98 = tpu.memref_slice %arg6[%mul3A_6, %dma_wait3A_97] : memref<8192x128xf32, #tpu.memory_space<vmem_shared>> -> memref<512x128xf32, #tpu.memory_space<vmem_shared>>
      %dma_wait3A_99 = arith.constant 0 : i32
      %dma_wait3A_100 = tpu.memref_slice %arg3[%mul3A_4, %dma_wait3A_99] : memref<8192x128xf32, #tpu.memory_space<hbm>> -> memref<512x128xf32, #tpu.memory_space<hbm>>
      tpu.wait_dma2 semaphore(%run_scoped3A_92 : memref<!tpu.dma_semaphore, #tpu.memory_space<semaphore_mem>>) src(%dma_wait3A_100 : memref<512x128xf32, #tpu.memory_space<hbm>>) dst(%dma_wait3A_98 : memref<512x128xf32, #tpu.memory_space<vmem_shared>>)
      tpu.yield
    }) : () -> ()
    %run_scoped3A = arith.constant 0 : i32
    "tpu.region"() ({
      %run_scoped3A_92 = tpu.sem_alloc : memref<!tpu.dma_semaphore, #tpu.memory_space<semaphore_mem>>
      %dma_start3A_93 = arith.constant 0 : i32
      %dma_start3A_94 = tpu.memref_slice %arg2[%dma_start3A_93, %run_scoped3A, %mul3A_2] : memref<50x1x4096xi32, #tpu.memory_space<hbm>> -> memref<50x1x128xi32, #tpu.memory_space<hbm>>
      %dma_start3A_95 = tpu.memref_squeeze %dma_start3A_94 : memref<50x1x128xi32, #tpu.memory_space<hbm>> -> memref<50x128xi32, #tpu.memory_space<hbm>>
      %dma_start3A_96 = arith.constant 0 : i32
      %dma_start3A_97 = tpu.memref_slice %arg2[%dma_start3A_96, %run_scoped3A, %mul3A_2] : memref<50x1x4096xi32, #tpu.memory_space<hbm>> -> memref<50x1x128xi32, #tpu.memory_space<hbm>>
      %dma_start3A_98 = tpu.memref_squeeze %dma_start3A_97 : memref<50x1x128xi32, #tpu.memory_space<hbm>> -> memref<50x128xi32, #tpu.memory_space<hbm>>
      tpu.enqueue_dma source(%dma_start3A_98 : memref<50x128xi32, #tpu.memory_space<hbm>>) target(%arg5 : memref<50x128xi32, #tpu.memory_space<vmem>>) target_semaphore(%run_scoped3A_92 : memref<!tpu.dma_semaphore, #tpu.memory_space<semaphore_mem>>)
      %dma_wait3A_99 = arith.constant 0 : i32
      %dma_wait3A_100 = tpu.memref_slice %arg2[%dma_wait3A_99, %run_scoped3A, %mul3A_2] : memref<50x1x4096xi32, #tpu.memory_space<hbm>> -> memref<50x1x128xi32, #tpu.memory_space<hbm>>
      %dma_wait3A_101 = tpu.memref_squeeze %dma_wait3A_100 : memref<50x1x128xi32, #tpu.memory_space<hbm>> -> memref<50x128xi32, #tpu.memory_space<hbm>>
      %dma_wait3A_102 = arith.constant 0 : i32
      %dma_wait3A_103 = tpu.memref_slice %arg2[%dma_wait3A_102, %run_scoped3A, %mul3A_2] : memref<50x1x4096xi32, #tpu.memory_space<hbm>> -> memref<50x1x128xi32, #tpu.memory_space<hbm>>
      %dma_wait3A_104 = tpu.memref_squeeze %dma_wait3A_103 : memref<50x1x128xi32, #tpu.memory_space<hbm>> -> memref<50x128xi32, #tpu.memory_space<hbm>>
      tpu.wait_dma2 semaphore(%run_scoped3A_92 : memref<!tpu.dma_semaphore, #tpu.memory_space<semaphore_mem>>) src(%dma_wait3A_104 : memref<50x128xi32, #tpu.memory_space<hbm>>) dst(%arg5 : memref<50x128xi32, #tpu.memory_space<vmem>>)
      tpu.yield
    }) : () -> ()
    %barrier3A = arith.constant 0 : index
    tpu.barrier barrier_id(%barrier3A)
    %dma_start3A = arith.constant 0 : i32
    %dma_start3A_7 = arith.constant 0 : i32
    %dma_start3A_8 = tpu.memref_slice %arg5[%dma_start3A, %dma_start3A_7] : memref<50x128xi32, #tpu.memory_space<vmem>> -> memref<1x64xi32, #tpu.memory_space<vmem>>
    %dma_start3A_9 = tpu.memref_squeeze %dma_start3A_8 : memref<1x64xi32, #tpu.memory_space<vmem>> -> memref<64xi32, #tpu.memory_space<vmem>>
    %dma_start3A_10 = arith.constant 0 : i32
    %dma_start3A_11 = arith.constant 0 : i32
    %dma_start3A_12 = tpu.memref_slice %arg6[%dma_start3A_10, %dma_start3A_11] : memref<8192x128xf32, #tpu.memory_space<vmem_shared>> -> memref<8192x128xf32, #tpu.memory_space<vmem_shared>>
    tpu.enqueue_indirect_dma source(%dma_start3A_12 : memref<8192x128xf32, #tpu.memory_space<vmem_shared>>) target(%arg7 : memref<64x128xf32, #tpu.memory_space<vmem>>) offsets(%dma_start3A_9 : memref<64xi32, #tpu.memory_space<vmem>>) semaphore(%arg13 : memref<!tpu.dma_semaphore, #tpu.memory_space<semaphore_mem>>)
    %dma_start3A_13 = arith.constant 0 : i32
    %dma_start3A_14 = arith.constant 64 : i32
    %dma_start3A_15 = tpu.memref_slice %arg5[%dma_start3A_13, %dma_start3A_14] : memref<50x128xi32, #tpu.memory_space<vmem>> -> memref<1x64xi32, #tpu.memory_space<vmem>>
    %dma_start3A_16 = tpu.memref_squeeze %dma_start3A_15 : memref<1x64xi32, #tpu.memory_space<vmem>> -> memref<64xi32, #tpu.memory_space<vmem>>
    %dma_start3A_17 = arith.constant 0 : i32
    %dma_start3A_18 = arith.constant 0 : i32
    %dma_start3A_19 = tpu.memref_slice %arg6[%dma_start3A_17, %dma_start3A_18] : memref<8192x128xf32, #tpu.memory_space<vmem_shared>> -> memref<8192x128xf32, #tpu.memory_space<vmem_shared>>
    tpu.enqueue_indirect_dma source(%dma_start3A_19 : memref<8192x128xf32, #tpu.memory_space<vmem_shared>>) target(%arg8 : memref<64x128xf32, #tpu.memory_space<vmem>>) offsets(%dma_start3A_16 : memref<64xi32, #tpu.memory_space<vmem>>) semaphore(%arg14 : memref<!tpu.dma_semaphore, #tpu.memory_space<semaphore_mem>>)
    %dma_start3A_20 = arith.constant 1 : i32
    %dma_start3A_21 = arith.constant 0 : i32
    %dma_start3A_22 = tpu.memref_slice %arg5[%dma_start3A_20, %dma_start3A_21] : memref<50x128xi32, #tpu.memory_space<vmem>> -> memref<1x64xi32, #tpu.memory_space<vmem>>
    %dma_start3A_23 = tpu.memref_squeeze %dma_start3A_22 : memref<1x64xi32, #tpu.memory_space<vmem>> -> memref<64xi32, #tpu.memory_space<vmem>>
    %dma_start3A_24 = arith.constant 0 : i32
    %dma_start3A_25 = arith.constant 0 : i32
    %dma_start3A_26 = tpu.memref_slice %arg6[%dma_start3A_24, %dma_start3A_25] : memref<8192x128xf32, #tpu.memory_space<vmem_shared>> -> memref<8192x128xf32, #tpu.memory_space<vmem_shared>>
    tpu.enqueue_indirect_dma source(%dma_start3A_26 : memref<8192x128xf32, #tpu.memory_space<vmem_shared>>) target(%arg9 : memref<64x128xf32, #tpu.memory_space<vmem>>) offsets(%dma_start3A_23 : memref<64xi32, #tpu.memory_space<vmem>>) semaphore(%arg15 : memref<!tpu.dma_semaphore, #tpu.memory_space<semaphore_mem>>)
    %dma_start3A_27 = arith.constant 1 : i32
    %dma_start3A_28 = arith.constant 64 : i32
    %dma_start3A_29 = tpu.memref_slice %arg5[%dma_start3A_27, %dma_start3A_28] : memref<50x128xi32, #tpu.memory_space<vmem>> -> memref<1x64xi32, #tpu.memory_space<vmem>>
    %dma_start3A_30 = tpu.memref_squeeze %dma_start3A_29 : memref<1x64xi32, #tpu.memory_space<vmem>> -> memref<64xi32, #tpu.memory_space<vmem>>
    %dma_start3A_31 = arith.constant 0 : i32
    %dma_start3A_32 = arith.constant 0 : i32
    %dma_start3A_33 = tpu.memref_slice %arg6[%dma_start3A_31, %dma_start3A_32] : memref<8192x128xf32, #tpu.memory_space<vmem_shared>> -> memref<8192x128xf32, #tpu.memory_space<vmem_shared>>
    tpu.enqueue_indirect_dma source(%dma_start3A_33 : memref<8192x128xf32, #tpu.memory_space<vmem_shared>>) target(%arg10 : memref<64x128xf32, #tpu.memory_space<vmem>>) offsets(%dma_start3A_30 : memref<64xi32, #tpu.memory_space<vmem>>) semaphore(%arg16 : memref<!tpu.dma_semaphore, #tpu.memory_space<semaphore_mem>>)
    %scan3A = arith.constant 0 : i32
    %scan3A_34 = arith.constant 0 : i32
    %scan3A_35 = arith.constant 17 : i32
    %scan3A_36 = arith.addi %scan3A_34, %scan3A_35 : i32
    %scan3A_37 = arith.constant 1 : i32
    scf.for %scan3A_92 = %scan3A_34 to %scan3A_36 step %scan3A_37  : i32 {
      %mul3A_93 = arith.constant 6 : i32
      %mul3A_94 = arith.muli %scan3A_92, %mul3A_93 : i32
      %add3A_95 = arith.constant 0 : i32
      %add3A_96 = arith.addi %mul3A_94, %add3A_95 : i32
      %lt3A = arith.constant 100 : i32
      %lt3A_97 = arith.cmpi slt, %add3A_96, %lt3A : i32
      %convert_element_type3A = arith.extui %lt3A_97 : i1 to i32
      %cond3A = arith.constant 0 : i32
      %cond3A_98 = arith.cmpi ne, %convert_element_type3A, %cond3A : i32
      scf.if %cond3A_98 {
        %jit3A = arith.constant 2 : i32
        %div3A = arith.divsi %add3A_96, %jit3A : i32
        %sign3A = arith.constant 0 : i32
        %sign3A_232 = arith.cmpi sgt, %add3A_96, %sign3A : i32
        %sign3A_233 = arith.extui %sign3A_232 : i1 to i32
        %sign3A_234 = arith.constant 0 : i32
        %sign3A_235 = arith.cmpi slt, %add3A_96, %sign3A_234 : i32
        %sign3A_236 = arith.extui %sign3A_235 : i1 to i32
        %sign3A_237 = arith.subi %sign3A_233, %sign3A_236 : i32
        %sign3A_238 = arith.constant 0 : i32
        %sign3A_239 = arith.cmpi sgt, %jit3A, %sign3A_238 : i32
        %sign3A_240 = arith.extui %sign3A_239 : i1 to i32
        %sign3A_241 = arith.constant 0 : i32
        %sign3A_242 = arith.cmpi slt, %jit3A, %sign3A_241 : i32
        %sign3A_243 = arith.extui %sign3A_242 : i1 to i32
        %sign3A_244 = arith.subi %sign3A_240, %sign3A_243 : i32
        %ne3A = arith.cmpi ne, %sign3A_237, %sign3A_244 : i32
        %rem3A = arith.remsi %add3A_96, %jit3A : i32
        %ne3A_245 = arith.constant 0 : i32
        %ne3A_246 = arith.cmpi ne, %rem3A, %ne3A_245 : i32
        %and3A_247 = arith.andi %ne3A, %ne3A_246 : i1
        %sub3A = arith.constant 1 : i32
        %sub3A_248 = arith.subi %div3A, %sub3A : i32
        %select_n3A = arith.select %and3A_247, %sub3A_248, %div3A : i32
        %jit3A_249 = arith.constant 2 : i32
        %eq3A = arith.constant 0 : i32
        %eq3A_250 = arith.cmpi eq, %jit3A_249, %eq3A : i32
        %jit3A_251 = arith.constant 1 : i32
        %select_n3A_252 = arith.select %eq3A_250, %jit3A_251, %jit3A_249 : i32
        %rem3A_253 = arith.remsi %add3A_96, %select_n3A_252 : i32
        %ne3A_254 = arith.constant 0 : i32
        %ne3A_255 = arith.cmpi ne, %rem3A_253, %ne3A_254 : i32
        %lt3A_256 = arith.constant 0 : i32
        %lt3A_257 = arith.cmpi slt, %rem3A_253, %lt3A_256 : i32
        %lt3A_258 = arith.constant 0 : i32
        %lt3A_259 = arith.cmpi slt, %select_n3A_252, %lt3A_258 : i32
        %ne3A_260 = arith.xori %lt3A_257, %lt3A_259 : i1
        %and3A_261 = arith.andi %ne3A_260, %ne3A_255 : i1
        %add3A_262 = arith.addi %rem3A_253, %select_n3A_252 : i32
        %select_n3A_263 = arith.select %and3A_261, %add3A_262, %rem3A_253 : i32
        %mul3A_264 = arith.constant 64 : i32
        %mul3A_265 = arith.muli %select_n3A_263, %mul3A_264 : i32
        %dma_wait3A_266 = tpu.memref_slice %arg5[%select_n3A, %mul3A_265] : memref<50x128xi32, #tpu.memory_space<vmem>> -> memref<1x64xi32, #tpu.memory_space<vmem>>
        %dma_wait3A_267 = tpu.memref_squeeze %dma_wait3A_266 : memref<1x64xi32, #tpu.memory_space<vmem>> -> memref<64xi32, #tpu.memory_space<vmem>>
        %dma_wait3A_268 = arith.constant 0 : i32
        %dma_wait3A_269 = arith.constant 0 : i32
        %dma_wait3A_270 = tpu.memref_slice %arg6[%dma_wait3A_268, %dma_wait3A_269] : memref<8192x128xf32, #tpu.memory_space<vmem_shared>> -> memref<8192x128xf32, #tpu.memory_space<vmem_shared>>
        tpu.wait_indirect_dma semaphore(%arg13 : memref<!tpu.dma_semaphore, #tpu.memory_space<semaphore_mem>>) src(%dma_wait3A_270 : memref<8192x128xf32, #tpu.memory_space<vmem_shared>>) dst(%arg7 : memref<64x128xf32, #tpu.memory_space<vmem>>)
        %jit3A_271 = arith.constant 2 : i32
        %div3A_272 = arith.divsi %add3A_96, %jit3A_271 : i32
        %sign3A_273 = arith.constant 0 : i32
        %sign3A_274 = arith.cmpi sgt, %add3A_96, %sign3A_273 : i32
        %sign3A_275 = arith.extui %sign3A_274 : i1 to i32
        %sign3A_276 = arith.constant 0 : i32
        %sign3A_277 = arith.cmpi slt, %add3A_96, %sign3A_276 : i32
        %sign3A_278 = arith.extui %sign3A_277 : i1 to i32
        %sign3A_279 = arith.subi %sign3A_275, %sign3A_278 : i32
        %sign3A_280 = arith.constant 0 : i32
        %sign3A_281 = arith.cmpi sgt, %jit3A_271, %sign3A_280 : i32
        %sign3A_282 = arith.extui %sign3A_281 : i1 to i32
        %sign3A_283 = arith.constant 0 : i32
        %sign3A_284 = arith.cmpi slt, %jit3A_271, %sign3A_283 : i32
        %sign3A_285 = arith.extui %sign3A_284 : i1 to i32
        %sign3A_286 = arith.subi %sign3A_282, %sign3A_285 : i32
        %ne3A_287 = arith.cmpi ne, %sign3A_279, %sign3A_286 : i32
        %rem3A_288 = arith.remsi %add3A_96, %jit3A_271 : i32
        %ne3A_289 = arith.constant 0 : i32
        %ne3A_290 = arith.cmpi ne, %rem3A_288, %ne3A_289 : i32
        %and3A_291 = arith.andi %ne3A_287, %ne3A_290 : i1
        %sub3A_292 = arith.constant 1 : i32
        %sub3A_293 = arith.subi %div3A_272, %sub3A_292 : i32
        %select_n3A_294 = arith.select %and3A_291, %sub3A_293, %div3A_272 : i32
        %jit3A_295 = arith.constant 2 : i32
        %eq3A_296 = arith.constant 0 : i32
        %eq3A_297 = arith.cmpi eq, %jit3A_295, %eq3A_296 : i32
        %jit3A_298 = arith.constant 1 : i32
        %select_n3A_299 = arith.select %eq3A_297, %jit3A_298, %jit3A_295 : i32
        %rem3A_300 = arith.remsi %add3A_96, %select_n3A_299 : i32
        %ne3A_301 = arith.constant 0 : i32
        %ne3A_302 = arith.cmpi ne, %rem3A_300, %ne3A_301 : i32
        %lt3A_303 = arith.constant 0 : i32
        %lt3A_304 = arith.cmpi slt, %rem3A_300, %lt3A_303 : i32
        %lt3A_305 = arith.constant 0 : i32
        %lt3A_306 = arith.cmpi slt, %select_n3A_299, %lt3A_305 : i32
        %ne3A_307 = arith.xori %lt3A_304, %lt3A_306 : i1
        %and3A_308 = arith.andi %ne3A_307, %ne3A_302 : i1
        %add3A_309 = arith.addi %rem3A_300, %select_n3A_299 : i32
        %select_n3A_310 = arith.select %and3A_308, %add3A_309, %rem3A_300 : i32
        %mul3A_311 = arith.constant 64 : i32
        %mul3A_312 = arith.muli %select_n3A_310, %mul3A_311 : i32
        %add3A_313 = arith.addi %mul3A_2, %mul3A_312 : i32
        %dma_start3A_314 = arith.constant 0 : i32
        %dma_start3A_315 = tpu.memref_slice %arg4[%select_n3A_294, %add3A_313, %dma_start3A_314] : memref<50x4096x128xf32, #tpu.memory_space<hbm>> -> memref<1x64x128xf32, #tpu.memory_space<hbm>>
        %dma_start3A_316 = tpu.memref_squeeze %dma_start3A_315 : memref<1x64x128xf32, #tpu.memory_space<hbm>> -> memref<64x128xf32, #tpu.memory_space<hbm>>
        %dma_start3A_317 = arith.constant 0 : i32
        %dma_start3A_318 = tpu.memref_slice %arg4[%select_n3A_294, %add3A_313, %dma_start3A_317] : memref<50x4096x128xf32, #tpu.memory_space<hbm>> -> memref<1x64x128xf32, #tpu.memory_space<hbm>>
        %dma_start3A_319 = tpu.memref_squeeze %dma_start3A_318 : memref<1x64x128xf32, #tpu.memory_space<hbm>> -> memref<64x128xf32, #tpu.memory_space<hbm>>
        tpu.enqueue_dma source(%arg7 : memref<64x128xf32, #tpu.memory_space<vmem>>) target(%dma_start3A_319 : memref<64x128xf32, #tpu.memory_space<hbm>>) target_semaphore(%arg19 : memref<!tpu.dma_semaphore, #tpu.memory_space<semaphore_mem>>)
      } else {
      }
      %add3A_99 = arith.constant 4 : i32
      %add3A_100 = arith.addi %add3A_96, %add3A_99 : i32
      %ge3A = arith.constant 6 : i32
      %ge3A_101 = arith.cmpi sge, %add3A_100, %ge3A : i32
      %lt3A_102 = arith.constant 100 : i32
      %lt3A_103 = arith.cmpi slt, %add3A_100, %lt3A_102 : i32
      %and3A = arith.andi %ge3A_101, %lt3A_103 : i1
      %convert_element_type3A_104 = arith.extui %and3A : i1 to i32
      %cond3A_105 = arith.constant 0 : i32
      %cond3A_106 = arith.cmpi ne, %convert_element_type3A_104, %cond3A_105 : i32
      scf.if %cond3A_106 {
        %sub3A = arith.constant 6 : i32
        %sub3A_232 = arith.subi %add3A_100, %sub3A : i32
        %jit3A = arith.constant 2 : i32
        %div3A = arith.divsi %sub3A_232, %jit3A : i32
        %sign3A = arith.constant 0 : i32
        %sign3A_233 = arith.cmpi sgt, %sub3A_232, %sign3A : i32
        %sign3A_234 = arith.extui %sign3A_233 : i1 to i32
        %sign3A_235 = arith.constant 0 : i32
        %sign3A_236 = arith.cmpi slt, %sub3A_232, %sign3A_235 : i32
        %sign3A_237 = arith.extui %sign3A_236 : i1 to i32
        %sign3A_238 = arith.subi %sign3A_234, %sign3A_237 : i32
        %sign3A_239 = arith.constant 0 : i32
        %sign3A_240 = arith.cmpi sgt, %jit3A, %sign3A_239 : i32
        %sign3A_241 = arith.extui %sign3A_240 : i1 to i32
        %sign3A_242 = arith.constant 0 : i32
        %sign3A_243 = arith.cmpi slt, %jit3A, %sign3A_242 : i32
        %sign3A_244 = arith.extui %sign3A_243 : i1 to i32
        %sign3A_245 = arith.subi %sign3A_241, %sign3A_244 : i32
        %ne3A = arith.cmpi ne, %sign3A_238, %sign3A_245 : i32
        %rem3A = arith.remsi %sub3A_232, %jit3A : i32
        %ne3A_246 = arith.constant 0 : i32
        %ne3A_247 = arith.cmpi ne, %rem3A, %ne3A_246 : i32
        %and3A_248 = arith.andi %ne3A, %ne3A_247 : i1
        %sub3A_249 = arith.constant 1 : i32
        %sub3A_250 = arith.subi %div3A, %sub3A_249 : i32
        %select_n3A = arith.select %and3A_248, %sub3A_250, %div3A : i32
        %jit3A_251 = arith.constant 2 : i32
        %eq3A = arith.constant 0 : i32
        %eq3A_252 = arith.cmpi eq, %jit3A_251, %eq3A : i32
        %jit3A_253 = arith.constant 1 : i32
        %select_n3A_254 = arith.select %eq3A_252, %jit3A_253, %jit3A_251 : i32
        %rem3A_255 = arith.remsi %sub3A_232, %select_n3A_254 : i32
        %ne3A_256 = arith.constant 0 : i32
        %ne3A_257 = arith.cmpi ne, %rem3A_255, %ne3A_256 : i32
        %lt3A_258 = arith.constant 0 : i32
        %lt3A_259 = arith.cmpi slt, %rem3A_255, %lt3A_258 : i32
        %lt3A_260 = arith.constant 0 : i32
        %lt3A_261 = arith.cmpi slt, %select_n3A_254, %lt3A_260 : i32
        %ne3A_262 = arith.xori %lt3A_259, %lt3A_261 : i1
        %and3A_263 = arith.andi %ne3A_262, %ne3A_257 : i1
        %add3A_264 = arith.addi %rem3A_255, %select_n3A_254 : i32
        %select_n3A_265 = arith.select %and3A_263, %add3A_264, %rem3A_255 : i32
        %mul3A_266 = arith.constant 64 : i32
        %mul3A_267 = arith.muli %select_n3A_265, %mul3A_266 : i32
        %add3A_268 = arith.addi %mul3A_2, %mul3A_267 : i32
        %dma_wait3A_269 = arith.constant 0 : i32
        %dma_wait3A_270 = tpu.memref_slice %arg4[%select_n3A, %add3A_268, %dma_wait3A_269] : memref<50x4096x128xf32, #tpu.memory_space<hbm>> -> memref<1x64x128xf32, #tpu.memory_space<hbm>>
        %dma_wait3A_271 = tpu.memref_squeeze %dma_wait3A_270 : memref<1x64x128xf32, #tpu.memory_space<hbm>> -> memref<64x128xf32, #tpu.memory_space<hbm>>
        %dma_wait3A_272 = arith.constant 0 : i32
        %dma_wait3A_273 = tpu.memref_slice %arg4[%select_n3A, %add3A_268, %dma_wait3A_272] : memref<50x4096x128xf32, #tpu.memory_space<hbm>> -> memref<1x64x128xf32, #tpu.memory_space<hbm>>
        %dma_wait3A_274 = tpu.memref_squeeze %dma_wait3A_273 : memref<1x64x128xf32, #tpu.memory_space<hbm>> -> memref<64x128xf32, #tpu.memory_space<hbm>>
        tpu.wait_dma2 semaphore(%arg23 : memref<!tpu.dma_semaphore, #tpu.memory_space<semaphore_mem>>) src(%arg11 : memref<64x128xf32, #tpu.memory_space<vmem>>) dst(%dma_wait3A_274 : memref<64x128xf32, #tpu.memory_space<hbm>>)
      } else {
      }
      %lt3A_107 = arith.constant 100 : i32
      %lt3A_108 = arith.cmpi slt, %add3A_100, %lt3A_107 : i32
      %convert_element_type3A_109 = arith.extui %lt3A_108 : i1 to i32
      %cond3A_110 = arith.constant 0 : i32
      %cond3A_111 = arith.cmpi ne, %convert_element_type3A_109, %cond3A_110 : i32
      scf.if %cond3A_111 {
        %jit3A = arith.constant 2 : i32
        %div3A = arith.divsi %add3A_100, %jit3A : i32
        %sign3A = arith.constant 0 : i32
        %sign3A_232 = arith.cmpi sgt, %add3A_100, %sign3A : i32
        %sign3A_233 = arith.extui %sign3A_232 : i1 to i32
        %sign3A_234 = arith.constant 0 : i32
        %sign3A_235 = arith.cmpi slt, %add3A_100, %sign3A_234 : i32
        %sign3A_236 = arith.extui %sign3A_235 : i1 to i32
        %sign3A_237 = arith.subi %sign3A_233, %sign3A_236 : i32
        %sign3A_238 = arith.constant 0 : i32
        %sign3A_239 = arith.cmpi sgt, %jit3A, %sign3A_238 : i32
        %sign3A_240 = arith.extui %sign3A_239 : i1 to i32
        %sign3A_241 = arith.constant 0 : i32
        %sign3A_242 = arith.cmpi slt, %jit3A, %sign3A_241 : i32
        %sign3A_243 = arith.extui %sign3A_242 : i1 to i32
        %sign3A_244 = arith.subi %sign3A_240, %sign3A_243 : i32
        %ne3A = arith.cmpi ne, %sign3A_237, %sign3A_244 : i32
        %rem3A = arith.remsi %add3A_100, %jit3A : i32
        %ne3A_245 = arith.constant 0 : i32
        %ne3A_246 = arith.cmpi ne, %rem3A, %ne3A_245 : i32
        %and3A_247 = arith.andi %ne3A, %ne3A_246 : i1
        %sub3A = arith.constant 1 : i32
        %sub3A_248 = arith.subi %div3A, %sub3A : i32
        %select_n3A = arith.select %and3A_247, %sub3A_248, %div3A : i32
        %jit3A_249 = arith.constant 2 : i32
        %eq3A = arith.constant 0 : i32
        %eq3A_250 = arith.cmpi eq, %jit3A_249, %eq3A : i32
        %jit3A_251 = arith.constant 1 : i32
        %select_n3A_252 = arith.select %eq3A_250, %jit3A_251, %jit3A_249 : i32
        %rem3A_253 = arith.remsi %add3A_100, %select_n3A_252 : i32
        %ne3A_254 = arith.constant 0 : i32
        %ne3A_255 = arith.cmpi ne, %rem3A_253, %ne3A_254 : i32
        %lt3A_256 = arith.constant 0 : i32
        %lt3A_257 = arith.cmpi slt, %rem3A_253, %lt3A_256 : i32
        %lt3A_258 = arith.constant 0 : i32
        %lt3A_259 = arith.cmpi slt, %select_n3A_252, %lt3A_258 : i32
        %ne3A_260 = arith.xori %lt3A_257, %lt3A_259 : i1
        %and3A_261 = arith.andi %ne3A_260, %ne3A_255 : i1
        %add3A_262 = arith.addi %rem3A_253, %select_n3A_252 : i32
        %select_n3A_263 = arith.select %and3A_261, %add3A_262, %rem3A_253 : i32
        %mul3A_264 = arith.constant 64 : i32
        %mul3A_265 = arith.muli %select_n3A_263, %mul3A_264 : i32
        %dma_start3A_266 = tpu.memref_slice %arg5[%select_n3A, %mul3A_265] : memref<50x128xi32, #tpu.memory_space<vmem>> -> memref<1x64xi32, #tpu.memory_space<vmem>>
        %dma_start3A_267 = tpu.memref_squeeze %dma_start3A_266 : memref<1x64xi32, #tpu.memory_space<vmem>> -> memref<64xi32, #tpu.memory_space<vmem>>
        %dma_start3A_268 = arith.constant 0 : i32
        %dma_start3A_269 = arith.constant 0 : i32
        %dma_start3A_270 = tpu.memref_slice %arg6[%dma_start3A_268, %dma_start3A_269] : memref<8192x128xf32, #tpu.memory_space<vmem_shared>> -> memref<8192x128xf32, #tpu.memory_space<vmem_shared>>
        tpu.enqueue_indirect_dma source(%dma_start3A_270 : memref<8192x128xf32, #tpu.memory_space<vmem_shared>>) target(%arg11 : memref<64x128xf32, #tpu.memory_space<vmem>>) offsets(%dma_start3A_267 : memref<64xi32, #tpu.memory_space<vmem>>) semaphore(%arg17 : memref<!tpu.dma_semaphore, #tpu.memory_space<semaphore_mem>>)
      } else {
      }
      %mul3A_112 = arith.constant 6 : i32
      %mul3A_113 = arith.muli %scan3A_92, %mul3A_112 : i32
      %add3A_114 = arith.constant 1 : i32
      %add3A_115 = arith.addi %mul3A_113, %add3A_114 : i32
      %lt3A_116 = arith.constant 100 : i32
      %lt3A_117 = arith.cmpi slt, %add3A_115, %lt3A_116 : i32
      %convert_element_type3A_118 = arith.extui %lt3A_117 : i1 to i32
      %cond3A_119 = arith.constant 0 : i32
      %cond3A_120 = arith.cmpi ne, %convert_element_type3A_118, %cond3A_119 : i32
      scf.if %cond3A_120 {
        %jit3A = arith.constant 2 : i32
        %div3A = arith.divsi %add3A_115, %jit3A : i32
        %sign3A = arith.constant 0 : i32
        %sign3A_232 = arith.cmpi sgt, %add3A_115, %sign3A : i32
        %sign3A_233 = arith.extui %sign3A_232 : i1 to i32
        %sign3A_234 = arith.constant 0 : i32
        %sign3A_235 = arith.cmpi slt, %add3A_115, %sign3A_234 : i32
        %sign3A_236 = arith.extui %sign3A_235 : i1 to i32
        %sign3A_237 = arith.subi %sign3A_233, %sign3A_236 : i32
        %sign3A_238 = arith.constant 0 : i32
        %sign3A_239 = arith.cmpi sgt, %jit3A, %sign3A_238 : i32
        %sign3A_240 = arith.extui %sign3A_239 : i1 to i32
        %sign3A_241 = arith.constant 0 : i32
        %sign3A_242 = arith.cmpi slt, %jit3A, %sign3A_241 : i32
        %sign3A_243 = arith.extui %sign3A_242 : i1 to i32
        %sign3A_244 = arith.subi %sign3A_240, %sign3A_243 : i32
        %ne3A = arith.cmpi ne, %sign3A_237, %sign3A_244 : i32
        %rem3A = arith.remsi %add3A_115, %jit3A : i32
        %ne3A_245 = arith.constant 0 : i32
        %ne3A_246 = arith.cmpi ne, %rem3A, %ne3A_245 : i32
        %and3A_247 = arith.andi %ne3A, %ne3A_246 : i1
        %sub3A = arith.constant 1 : i32
        %sub3A_248 = arith.subi %div3A, %sub3A : i32
        %select_n3A = arith.select %and3A_247, %sub3A_248, %div3A : i32
        %jit3A_249 = arith.constant 2 : i32
        %eq3A = arith.constant 0 : i32
        %eq3A_250 = arith.cmpi eq, %jit3A_249, %eq3A : i32
        %jit3A_251 = arith.constant 1 : i32
        %select_n3A_252 = arith.select %eq3A_250, %jit3A_251, %jit3A_249 : i32
        %rem3A_253 = arith.remsi %add3A_115, %select_n3A_252 : i32
        %ne3A_254 = arith.constant 0 : i32
        %ne3A_255 = arith.cmpi ne, %rem3A_253, %ne3A_254 : i32
        %lt3A_256 = arith.constant 0 : i32
        %lt3A_257 = arith.cmpi slt, %rem3A_253, %lt3A_256 : i32
        %lt3A_258 = arith.constant 0 : i32
        %lt3A_259 = arith.cmpi slt, %select_n3A_252, %lt3A_258 : i32
        %ne3A_260 = arith.xori %lt3A_257, %lt3A_259 : i1
        %and3A_261 = arith.andi %ne3A_260, %ne3A_255 : i1
        %add3A_262 = arith.addi %rem3A_253, %select_n3A_252 : i32
        %select_n3A_263 = arith.select %and3A_261, %add3A_262, %rem3A_253 : i32
        %mul3A_264 = arith.constant 64 : i32
        %mul3A_265 = arith.muli %select_n3A_263, %mul3A_264 : i32
        %dma_wait3A_266 = tpu.memref_slice %arg5[%select_n3A, %mul3A_265] : memref<50x128xi32, #tpu.memory_space<vmem>> -> memref<1x64xi32, #tpu.memory_space<vmem>>
        %dma_wait3A_267 = tpu.memref_squeeze %dma_wait3A_266 : memref<1x64xi32, #tpu.memory_space<vmem>> -> memref<64xi32, #tpu.memory_space<vmem>>
        %dma_wait3A_268 = arith.constant 0 : i32
        %dma_wait3A_269 = arith.constant 0 : i32
        %dma_wait3A_270 = tpu.memref_slice %arg6[%dma_wait3A_268, %dma_wait3A_269] : memref<8192x128xf32, #tpu.memory_space<vmem_shared>> -> memref<8192x128xf32, #tpu.memory_space<vmem_shared>>
        tpu.wait_indirect_dma semaphore(%arg14 : memref<!tpu.dma_semaphore, #tpu.memory_space<semaphore_mem>>) src(%dma_wait3A_270 : memref<8192x128xf32, #tpu.memory_space<vmem_shared>>) dst(%arg8 : memref<64x128xf32, #tpu.memory_space<vmem>>)
        %jit3A_271 = arith.constant 2 : i32
        %div3A_272 = arith.divsi %add3A_115, %jit3A_271 : i32
        %sign3A_273 = arith.constant 0 : i32
        %sign3A_274 = arith.cmpi sgt, %add3A_115, %sign3A_273 : i32
        %sign3A_275 = arith.extui %sign3A_274 : i1 to i32
        %sign3A_276 = arith.constant 0 : i32
        %sign3A_277 = arith.cmpi slt, %add3A_115, %sign3A_276 : i32
        %sign3A_278 = arith.extui %sign3A_277 : i1 to i32
        %sign3A_279 = arith.subi %sign3A_275, %sign3A_278 : i32
        %sign3A_280 = arith.constant 0 : i32
        %sign3A_281 = arith.cmpi sgt, %jit3A_271, %sign3A_280 : i32
        %sign3A_282 = arith.extui %sign3A_281 : i1 to i32
        %sign3A_283 = arith.constant 0 : i32
        %sign3A_284 = arith.cmpi slt, %jit3A_271, %sign3A_283 : i32
        %sign3A_285 = arith.extui %sign3A_284 : i1 to i32
        %sign3A_286 = arith.subi %sign3A_282, %sign3A_285 : i32
        %ne3A_287 = arith.cmpi ne, %sign3A_279, %sign3A_286 : i32
        %rem3A_288 = arith.remsi %add3A_115, %jit3A_271 : i32
        %ne3A_289 = arith.constant 0 : i32
        %ne3A_290 = arith.cmpi ne, %rem3A_288, %ne3A_289 : i32
        %and3A_291 = arith.andi %ne3A_287, %ne3A_290 : i1
        %sub3A_292 = arith.constant 1 : i32
        %sub3A_293 = arith.subi %div3A_272, %sub3A_292 : i32
        %select_n3A_294 = arith.select %and3A_291, %sub3A_293, %div3A_272 : i32
        %jit3A_295 = arith.constant 2 : i32
        %eq3A_296 = arith.constant 0 : i32
        %eq3A_297 = arith.cmpi eq, %jit3A_295, %eq3A_296 : i32
        %jit3A_298 = arith.constant 1 : i32
        %select_n3A_299 = arith.select %eq3A_297, %jit3A_298, %jit3A_295 : i32
        %rem3A_300 = arith.remsi %add3A_115, %select_n3A_299 : i32
        %ne3A_301 = arith.constant 0 : i32
        %ne3A_302 = arith.cmpi ne, %rem3A_300, %ne3A_301 : i32
        %lt3A_303 = arith.constant 0 : i32
        %lt3A_304 = arith.cmpi slt, %rem3A_300, %lt3A_303 : i32
        %lt3A_305 = arith.constant 0 : i32
        %lt3A_306 = arith.cmpi slt, %select_n3A_299, %lt3A_305 : i32
        %ne3A_307 = arith.xori %lt3A_304, %lt3A_306 : i1
        %and3A_308 = arith.andi %ne3A_307, %ne3A_302 : i1
        %add3A_309 = arith.addi %rem3A_300, %select_n3A_299 : i32
        %select_n3A_310 = arith.select %and3A_308, %add3A_309, %rem3A_300 : i32
        %mul3A_311 = arith.constant 64 : i32
        %mul3A_312 = arith.muli %select_n3A_310, %mul3A_311 : i32
        %add3A_313 = arith.addi %mul3A_2, %mul3A_312 : i32
        %dma_start3A_314 = arith.constant 0 : i32
        %dma_start3A_315 = tpu.memref_slice %arg4[%select_n3A_294, %add3A_313, %dma_start3A_314] : memref<50x4096x128xf32, #tpu.memory_space<hbm>> -> memref<1x64x128xf32, #tpu.memory_space<hbm>>
        %dma_start3A_316 = tpu.memref_squeeze %dma_start3A_315 : memref<1x64x128xf32, #tpu.memory_space<hbm>> -> memref<64x128xf32, #tpu.memory_space<hbm>>
        %dma_start3A_317 = arith.constant 0 : i32
        %dma_start3A_318 = tpu.memref_slice %arg4[%select_n3A_294, %add3A_313, %dma_start3A_317] : memref<50x4096x128xf32, #tpu.memory_space<hbm>> -> memref<1x64x128xf32, #tpu.memory_space<hbm>>
        %dma_start3A_319 = tpu.memref_squeeze %dma_start3A_318 : memref<1x64x128xf32, #tpu.memory_space<hbm>> -> memref<64x128xf32, #tpu.memory_space<hbm>>
        tpu.enqueue_dma source(%arg8 : memref<64x128xf32, #tpu.memory_space<vmem>>) target(%dma_start3A_319 : memref<64x128xf32, #tpu.memory_space<hbm>>) target_semaphore(%arg20 : memref<!tpu.dma_semaphore, #tpu.memory_space<semaphore_mem>>)
      } else {
      }
      %add3A_121 = arith.constant 4 : i32
      %add3A_122 = arith.addi %add3A_115, %add3A_121 : i32
      %ge3A_123 = arith.constant 6 : i32
      %ge3A_124 = arith.cmpi sge, %add3A_122, %ge3A_123 : i32
      %lt3A_125 = arith.constant 100 : i32
      %lt3A_126 = arith.cmpi slt, %add3A_122, %lt3A_125 : i32
      %and3A_127 = arith.andi %ge3A_124, %lt3A_126 : i1
      %convert_element_type3A_128 = arith.extui %and3A_127 : i1 to i32
      %cond3A_129 = arith.constant 0 : i32
      %cond3A_130 = arith.cmpi ne, %convert_element_type3A_128, %cond3A_129 : i32
      scf.if %cond3A_130 {
        %sub3A = arith.constant 6 : i32
        %sub3A_232 = arith.subi %add3A_122, %sub3A : i32
        %jit3A = arith.constant 2 : i32
        %div3A = arith.divsi %sub3A_232, %jit3A : i32
        %sign3A = arith.constant 0 : i32
        %sign3A_233 = arith.cmpi sgt, %sub3A_232, %sign3A : i32
        %sign3A_234 = arith.extui %sign3A_233 : i1 to i32
        %sign3A_235 = arith.constant 0 : i32
        %sign3A_236 = arith.cmpi slt, %sub3A_232, %sign3A_235 : i32
        %sign3A_237 = arith.extui %sign3A_236 : i1 to i32
        %sign3A_238 = arith.subi %sign3A_234, %sign3A_237 : i32
        %sign3A_239 = arith.constant 0 : i32
        %sign3A_240 = arith.cmpi sgt, %jit3A, %sign3A_239 : i32
        %sign3A_241 = arith.extui %sign3A_240 : i1 to i32
        %sign3A_242 = arith.constant 0 : i32
        %sign3A_243 = arith.cmpi slt, %jit3A, %sign3A_242 : i32
        %sign3A_244 = arith.extui %sign3A_243 : i1 to i32
        %sign3A_245 = arith.subi %sign3A_241, %sign3A_244 : i32
        %ne3A = arith.cmpi ne, %sign3A_238, %sign3A_245 : i32
        %rem3A = arith.remsi %sub3A_232, %jit3A : i32
        %ne3A_246 = arith.constant 0 : i32
        %ne3A_247 = arith.cmpi ne, %rem3A, %ne3A_246 : i32
        %and3A_248 = arith.andi %ne3A, %ne3A_247 : i1
        %sub3A_249 = arith.constant 1 : i32
        %sub3A_250 = arith.subi %div3A, %sub3A_249 : i32
        %select_n3A = arith.select %and3A_248, %sub3A_250, %div3A : i32
        %jit3A_251 = arith.constant 2 : i32
        %eq3A = arith.constant 0 : i32
        %eq3A_252 = arith.cmpi eq, %jit3A_251, %eq3A : i32
        %jit3A_253 = arith.constant 1 : i32
        %select_n3A_254 = arith.select %eq3A_252, %jit3A_253, %jit3A_251 : i32
        %rem3A_255 = arith.remsi %sub3A_232, %select_n3A_254 : i32
        %ne3A_256 = arith.constant 0 : i32
        %ne3A_257 = arith.cmpi ne, %rem3A_255, %ne3A_256 : i32
        %lt3A_258 = arith.constant 0 : i32
        %lt3A_259 = arith.cmpi slt, %rem3A_255, %lt3A_258 : i32
        %lt3A_260 = arith.constant 0 : i32
        %lt3A_261 = arith.cmpi slt, %select_n3A_254, %lt3A_260 : i32
        %ne3A_262 = arith.xori %lt3A_259, %lt3A_261 : i1
        %and3A_263 = arith.andi %ne3A_262, %ne3A_257 : i1
        %add3A_264 = arith.addi %rem3A_255, %select_n3A_254 : i32
        %select_n3A_265 = arith.select %and3A_263, %add3A_264, %rem3A_255 : i32
        %mul3A_266 = arith.constant 64 : i32
        %mul3A_267 = arith.muli %select_n3A_265, %mul3A_266 : i32
        %add3A_268 = arith.addi %mul3A_2, %mul3A_267 : i32
        %dma_wait3A_269 = arith.constant 0 : i32
        %dma_wait3A_270 = tpu.memref_slice %arg4[%select_n3A, %add3A_268, %dma_wait3A_269] : memref<50x4096x128xf32, #tpu.memory_space<hbm>> -> memref<1x64x128xf32, #tpu.memory_space<hbm>>
        %dma_wait3A_271 = tpu.memref_squeeze %dma_wait3A_270 : memref<1x64x128xf32, #tpu.memory_space<hbm>> -> memref<64x128xf32, #tpu.memory_space<hbm>>
        %dma_wait3A_272 = arith.constant 0 : i32
        %dma_wait3A_273 = tpu.memref_slice %arg4[%select_n3A, %add3A_268, %dma_wait3A_272] : memref<50x4096x128xf32, #tpu.memory_space<hbm>> -> memref<1x64x128xf32, #tpu.memory_space<hbm>>
        %dma_wait3A_274 = tpu.memref_squeeze %dma_wait3A_273 : memref<1x64x128xf32, #tpu.memory_space<hbm>> -> memref<64x128xf32, #tpu.memory_space<hbm>>
        tpu.wait_dma2 semaphore(%arg24 : memref<!tpu.dma_semaphore, #tpu.memory_space<semaphore_mem>>) src(%arg12 : memref<64x128xf32, #tpu.memory_space<vmem>>) dst(%dma_wait3A_274 : memref<64x128xf32, #tpu.memory_space<hbm>>)
      } else {
      }
      %lt3A_131 = arith.constant 100 : i32
      %lt3A_132 = arith.cmpi slt, %add3A_122, %lt3A_131 : i32
      %convert_element_type3A_133 = arith.extui %lt3A_132 : i1 to i32
      %cond3A_134 = arith.constant 0 : i32
      %cond3A_135 = arith.cmpi ne, %convert_element_type3A_133, %cond3A_134 : i32
      scf.if %cond3A_135 {
        %jit3A = arith.constant 2 : i32
        %div3A = arith.divsi %add3A_122, %jit3A : i32
        %sign3A = arith.constant 0 : i32
        %sign3A_232 = arith.cmpi sgt, %add3A_122, %sign3A : i32
        %sign3A_233 = arith.extui %sign3A_232 : i1 to i32
        %sign3A_234 = arith.constant 0 : i32
        %sign3A_235 = arith.cmpi slt, %add3A_122, %sign3A_234 : i32
        %sign3A_236 = arith.extui %sign3A_235 : i1 to i32
        %sign3A_237 = arith.subi %sign3A_233, %sign3A_236 : i32
        %sign3A_238 = arith.constant 0 : i32
        %sign3A_239 = arith.cmpi sgt, %jit3A, %sign3A_238 : i32
        %sign3A_240 = arith.extui %sign3A_239 : i1 to i32
        %sign3A_241 = arith.constant 0 : i32
        %sign3A_242 = arith.cmpi slt, %jit3A, %sign3A_241 : i32
        %sign3A_243 = arith.extui %sign3A_242 : i1 to i32
        %sign3A_244 = arith.subi %sign3A_240, %sign3A_243 : i32
        %ne3A = arith.cmpi ne, %sign3A_237, %sign3A_244 : i32
        %rem3A = arith.remsi %add3A_122, %jit3A : i32
        %ne3A_245 = arith.constant 0 : i32
        %ne3A_246 = arith.cmpi ne, %rem3A, %ne3A_245 : i32
        %and3A_247 = arith.andi %ne3A, %ne3A_246 : i1
        %sub3A = arith.constant 1 : i32
        %sub3A_248 = arith.subi %div3A, %sub3A : i32
        %select_n3A = arith.select %and3A_247, %sub3A_248, %div3A : i32
        %jit3A_249 = arith.constant 2 : i32
        %eq3A = arith.constant 0 : i32
        %eq3A_250 = arith.cmpi eq, %jit3A_249, %eq3A : i32
        %jit3A_251 = arith.constant 1 : i32
        %select_n3A_252 = arith.select %eq3A_250, %jit3A_251, %jit3A_249 : i32
        %rem3A_253 = arith.remsi %add3A_122, %select_n3A_252 : i32
        %ne3A_254 = arith.constant 0 : i32
        %ne3A_255 = arith.cmpi ne, %rem3A_253, %ne3A_254 : i32
        %lt3A_256 = arith.constant 0 : i32
        %lt3A_257 = arith.cmpi slt, %rem3A_253, %lt3A_256 : i32
        %lt3A_258 = arith.constant 0 : i32
        %lt3A_259 = arith.cmpi slt, %select_n3A_252, %lt3A_258 : i32
        %ne3A_260 = arith.xori %lt3A_257, %lt3A_259 : i1
        %and3A_261 = arith.andi %ne3A_260, %ne3A_255 : i1
        %add3A_262 = arith.addi %rem3A_253, %select_n3A_252 : i32
        %select_n3A_263 = arith.select %and3A_261, %add3A_262, %rem3A_253 : i32
        %mul3A_264 = arith.constant 64 : i32
        %mul3A_265 = arith.muli %select_n3A_263, %mul3A_264 : i32
        %dma_start3A_266 = tpu.memref_slice %arg5[%select_n3A, %mul3A_265] : memref<50x128xi32, #tpu.memory_space<vmem>> -> memref<1x64xi32, #tpu.memory_space<vmem>>
        %dma_start3A_267 = tpu.memref_squeeze %dma_start3A_266 : memref<1x64xi32, #tpu.memory_space<vmem>> -> memref<64xi32, #tpu.memory_space<vmem>>
        %dma_start3A_268 = arith.constant 0 : i32
        %dma_start3A_269 = arith.constant 0 : i32
        %dma_start3A_270 = tpu.memref_slice %arg6[%dma_start3A_268, %dma_start3A_269] : memref<8192x128xf32, #tpu.memory_space<vmem_shared>> -> memref<8192x128xf32, #tpu.memory_space<vmem_shared>>
        tpu.enqueue_indirect_dma source(%dma_start3A_270 : memref<8192x128xf32, #tpu.memory_space<vmem_shared>>) target(%arg12 : memref<64x128xf32, #tpu.memory_space<vmem>>) offsets(%dma_start3A_267 : memref<64xi32, #tpu.memory_space<vmem>>) semaphore(%arg18 : memref<!tpu.dma_semaphore, #tpu.memory_space<semaphore_mem>>)
      } else {
      }
      %mul3A_136 = arith.constant 6 : i32
      %mul3A_137 = arith.muli %scan3A_92, %mul3A_136 : i32
      %add3A_138 = arith.constant 2 : i32
      %add3A_139 = arith.addi %mul3A_137, %add3A_138 : i32
      %lt3A_140 = arith.constant 100 : i32
      %lt3A_141 = arith.cmpi slt, %add3A_139, %lt3A_140 : i32
      %convert_element_type3A_142 = arith.extui %lt3A_141 : i1 to i32
      %cond3A_143 = arith.constant 0 : i32
      %cond3A_144 = arith.cmpi ne, %convert_element_type3A_142, %cond3A_143 : i32
      scf.if %cond3A_144 {
        %jit3A = arith.constant 2 : i32
        %div3A = arith.divsi %add3A_139, %jit3A : i32
        %sign3A = arith.constant 0 : i32
        %sign3A_232 = arith.cmpi sgt, %add3A_139, %sign3A : i32
        %sign3A_233 = arith.extui %sign3A_232 : i1 to i32
        %sign3A_234 = arith.constant 0 : i32
        %sign3A_235 = arith.cmpi slt, %add3A_139, %sign3A_234 : i32
        %sign3A_236 = arith.extui %sign3A_235 : i1 to i32
        %sign3A_237 = arith.subi %sign3A_233, %sign3A_236 : i32
        %sign3A_238 = arith.constant 0 : i32
        %sign3A_239 = arith.cmpi sgt, %jit3A, %sign3A_238 : i32
        %sign3A_240 = arith.extui %sign3A_239 : i1 to i32
        %sign3A_241 = arith.constant 0 : i32
        %sign3A_242 = arith.cmpi slt, %jit3A, %sign3A_241 : i32
        %sign3A_243 = arith.extui %sign3A_242 : i1 to i32
        %sign3A_244 = arith.subi %sign3A_240, %sign3A_243 : i32
        %ne3A = arith.cmpi ne, %sign3A_237, %sign3A_244 : i32
        %rem3A = arith.remsi %add3A_139, %jit3A : i32
        %ne3A_245 = arith.constant 0 : i32
        %ne3A_246 = arith.cmpi ne, %rem3A, %ne3A_245 : i32
        %and3A_247 = arith.andi %ne3A, %ne3A_246 : i1
        %sub3A = arith.constant 1 : i32
        %sub3A_248 = arith.subi %div3A, %sub3A : i32
        %select_n3A = arith.select %and3A_247, %sub3A_248, %div3A : i32
        %jit3A_249 = arith.constant 2 : i32
        %eq3A = arith.constant 0 : i32
        %eq3A_250 = arith.cmpi eq, %jit3A_249, %eq3A : i32
        %jit3A_251 = arith.constant 1 : i32
        %select_n3A_252 = arith.select %eq3A_250, %jit3A_251, %jit3A_249 : i32
        %rem3A_253 = arith.remsi %add3A_139, %select_n3A_252 : i32
        %ne3A_254 = arith.constant 0 : i32
        %ne3A_255 = arith.cmpi ne, %rem3A_253, %ne3A_254 : i32
        %lt3A_256 = arith.constant 0 : i32
        %lt3A_257 = arith.cmpi slt, %rem3A_253, %lt3A_256 : i32
        %lt3A_258 = arith.constant 0 : i32
        %lt3A_259 = arith.cmpi slt, %select_n3A_252, %lt3A_258 : i32
        %ne3A_260 = arith.xori %lt3A_257, %lt3A_259 : i1
        %and3A_261 = arith.andi %ne3A_260, %ne3A_255 : i1
        %add3A_262 = arith.addi %rem3A_253, %select_n3A_252 : i32
        %select_n3A_263 = arith.select %and3A_261, %add3A_262, %rem3A_253 : i32
        %mul3A_264 = arith.constant 64 : i32
        %mul3A_265 = arith.muli %select_n3A_263, %mul3A_264 : i32
        %dma_wait3A_266 = tpu.memref_slice %arg5[%select_n3A, %mul3A_265] : memref<50x128xi32, #tpu.memory_space<vmem>> -> memref<1x64xi32, #tpu.memory_space<vmem>>
        %dma_wait3A_267 = tpu.memref_squeeze %dma_wait3A_266 : memref<1x64xi32, #tpu.memory_space<vmem>> -> memref<64xi32, #tpu.memory_space<vmem>>
        %dma_wait3A_268 = arith.constant 0 : i32
        %dma_wait3A_269 = arith.constant 0 : i32
        %dma_wait3A_270 = tpu.memref_slice %arg6[%dma_wait3A_268, %dma_wait3A_269] : memref<8192x128xf32, #tpu.memory_space<vmem_shared>> -> memref<8192x128xf32, #tpu.memory_space<vmem_shared>>
        tpu.wait_indirect_dma semaphore(%arg15 : memref<!tpu.dma_semaphore, #tpu.memory_space<semaphore_mem>>) src(%dma_wait3A_270 : memref<8192x128xf32, #tpu.memory_space<vmem_shared>>) dst(%arg9 : memref<64x128xf32, #tpu.memory_space<vmem>>)
        %jit3A_271 = arith.constant 2 : i32
        %div3A_272 = arith.divsi %add3A_139, %jit3A_271 : i32
        %sign3A_273 = arith.constant 0 : i32
        %sign3A_274 = arith.cmpi sgt, %add3A_139, %sign3A_273 : i32
        %sign3A_275 = arith.extui %sign3A_274 : i1 to i32
        %sign3A_276 = arith.constant 0 : i32
        %sign3A_277 = arith.cmpi slt, %add3A_139, %sign3A_276 : i32
        %sign3A_278 = arith.extui %sign3A_277 : i1 to i32
        %sign3A_279 = arith.subi %sign3A_275, %sign3A_278 : i32
        %sign3A_280 = arith.constant 0 : i32
        %sign3A_281 = arith.cmpi sgt, %jit3A_271, %sign3A_280 : i32
        %sign3A_282 = arith.extui %sign3A_281 : i1 to i32
        %sign3A_283 = arith.constant 0 : i32
        %sign3A_284 = arith.cmpi slt, %jit3A_271, %sign3A_283 : i32
        %sign3A_285 = arith.extui %sign3A_284 : i1 to i32
        %sign3A_286 = arith.subi %sign3A_282, %sign3A_285 : i32
        %ne3A_287 = arith.cmpi ne, %sign3A_279, %sign3A_286 : i32
        %rem3A_288 = arith.remsi %add3A_139, %jit3A_271 : i32
        %ne3A_289 = arith.constant 0 : i32
        %ne3A_290 = arith.cmpi ne, %rem3A_288, %ne3A_289 : i32
        %and3A_291 = arith.andi %ne3A_287, %ne3A_290 : i1
        %sub3A_292 = arith.constant 1 : i32
        %sub3A_293 = arith.subi %div3A_272, %sub3A_292 : i32
        %select_n3A_294 = arith.select %and3A_291, %sub3A_293, %div3A_272 : i32
        %jit3A_295 = arith.constant 2 : i32
        %eq3A_296 = arith.constant 0 : i32
        %eq3A_297 = arith.cmpi eq, %jit3A_295, %eq3A_296 : i32
        %jit3A_298 = arith.constant 1 : i32
        %select_n3A_299 = arith.select %eq3A_297, %jit3A_298, %jit3A_295 : i32
        %rem3A_300 = arith.remsi %add3A_139, %select_n3A_299 : i32
        %ne3A_301 = arith.constant 0 : i32
        %ne3A_302 = arith.cmpi ne, %rem3A_300, %ne3A_301 : i32
        %lt3A_303 = arith.constant 0 : i32
        %lt3A_304 = arith.cmpi slt, %rem3A_300, %lt3A_303 : i32
        %lt3A_305 = arith.constant 0 : i32
        %lt3A_306 = arith.cmpi slt, %select_n3A_299, %lt3A_305 : i32
        %ne3A_307 = arith.xori %lt3A_304, %lt3A_306 : i1
        %and3A_308 = arith.andi %ne3A_307, %ne3A_302 : i1
        %add3A_309 = arith.addi %rem3A_300, %select_n3A_299 : i32
        %select_n3A_310 = arith.select %and3A_308, %add3A_309, %rem3A_300 : i32
        %mul3A_311 = arith.constant 64 : i32
        %mul3A_312 = arith.muli %select_n3A_310, %mul3A_311 : i32
        %add3A_313 = arith.addi %mul3A_2, %mul3A_312 : i32
        %dma_start3A_314 = arith.constant 0 : i32
        %dma_start3A_315 = tpu.memref_slice %arg4[%select_n3A_294, %add3A_313, %dma_start3A_314] : memref<50x4096x128xf32, #tpu.memory_space<hbm>> -> memref<1x64x128xf32, #tpu.memory_space<hbm>>
        %dma_start3A_316 = tpu.memref_squeeze %dma_start3A_315 : memref<1x64x128xf32, #tpu.memory_space<hbm>> -> memref<64x128xf32, #tpu.memory_space<hbm>>
        %dma_start3A_317 = arith.constant 0 : i32
        %dma_start3A_318 = tpu.memref_slice %arg4[%select_n3A_294, %add3A_313, %dma_start3A_317] : memref<50x4096x128xf32, #tpu.memory_space<hbm>> -> memref<1x64x128xf32, #tpu.memory_space<hbm>>
        %dma_start3A_319 = tpu.memref_squeeze %dma_start3A_318 : memref<1x64x128xf32, #tpu.memory_space<hbm>> -> memref<64x128xf32, #tpu.memory_space<hbm>>
        tpu.enqueue_dma source(%arg9 : memref<64x128xf32, #tpu.memory_space<vmem>>) target(%dma_start3A_319 : memref<64x128xf32, #tpu.memory_space<hbm>>) target_semaphore(%arg21 : memref<!tpu.dma_semaphore, #tpu.memory_space<semaphore_mem>>)
      } else {
      }
      %add3A_145 = arith.constant 4 : i32
      %add3A_146 = arith.addi %add3A_139, %add3A_145 : i32
      %ge3A_147 = arith.constant 6 : i32
      %ge3A_148 = arith.cmpi sge, %add3A_146, %ge3A_147 : i32
      %lt3A_149 = arith.constant 100 : i32
      %lt3A_150 = arith.cmpi slt, %add3A_146, %lt3A_149 : i32
      %and3A_151 = arith.andi %ge3A_148, %lt3A_150 : i1
      %convert_element_type3A_152 = arith.extui %and3A_151 : i1 to i32
      %cond3A_153 = arith.constant 0 : i32
      %cond3A_154 = arith.cmpi ne, %convert_element_type3A_152, %cond3A_153 : i32
      scf.if %cond3A_154 {
        %sub3A = arith.constant 6 : i32
        %sub3A_232 = arith.subi %add3A_146, %sub3A : i32
        %jit3A = arith.constant 2 : i32
        %div3A = arith.divsi %sub3A_232, %jit3A : i32
        %sign3A = arith.constant 0 : i32
        %sign3A_233 = arith.cmpi sgt, %sub3A_232, %sign3A : i32
        %sign3A_234 = arith.extui %sign3A_233 : i1 to i32
        %sign3A_235 = arith.constant 0 : i32
        %sign3A_236 = arith.cmpi slt, %sub3A_232, %sign3A_235 : i32
        %sign3A_237 = arith.extui %sign3A_236 : i1 to i32
        %sign3A_238 = arith.subi %sign3A_234, %sign3A_237 : i32
        %sign3A_239 = arith.constant 0 : i32
        %sign3A_240 = arith.cmpi sgt, %jit3A, %sign3A_239 : i32
        %sign3A_241 = arith.extui %sign3A_240 : i1 to i32
        %sign3A_242 = arith.constant 0 : i32
        %sign3A_243 = arith.cmpi slt, %jit3A, %sign3A_242 : i32
        %sign3A_244 = arith.extui %sign3A_243 : i1 to i32
        %sign3A_245 = arith.subi %sign3A_241, %sign3A_244 : i32
        %ne3A = arith.cmpi ne, %sign3A_238, %sign3A_245 : i32
        %rem3A = arith.remsi %sub3A_232, %jit3A : i32
        %ne3A_246 = arith.constant 0 : i32
        %ne3A_247 = arith.cmpi ne, %rem3A, %ne3A_246 : i32
        %and3A_248 = arith.andi %ne3A, %ne3A_247 : i1
        %sub3A_249 = arith.constant 1 : i32
        %sub3A_250 = arith.subi %div3A, %sub3A_249 : i32
        %select_n3A = arith.select %and3A_248, %sub3A_250, %div3A : i32
        %jit3A_251 = arith.constant 2 : i32
        %eq3A = arith.constant 0 : i32
        %eq3A_252 = arith.cmpi eq, %jit3A_251, %eq3A : i32
        %jit3A_253 = arith.constant 1 : i32
        %select_n3A_254 = arith.select %eq3A_252, %jit3A_253, %jit3A_251 : i32
        %rem3A_255 = arith.remsi %sub3A_232, %select_n3A_254 : i32
        %ne3A_256 = arith.constant 0 : i32
        %ne3A_257 = arith.cmpi ne, %rem3A_255, %ne3A_256 : i32
        %lt3A_258 = arith.constant 0 : i32
        %lt3A_259 = arith.cmpi slt, %rem3A_255, %lt3A_258 : i32
        %lt3A_260 = arith.constant 0 : i32
        %lt3A_261 = arith.cmpi slt, %select_n3A_254, %lt3A_260 : i32
        %ne3A_262 = arith.xori %lt3A_259, %lt3A_261 : i1
        %and3A_263 = arith.andi %ne3A_262, %ne3A_257 : i1
        %add3A_264 = arith.addi %rem3A_255, %select_n3A_254 : i32
        %select_n3A_265 = arith.select %and3A_263, %add3A_264, %rem3A_255 : i32
        %mul3A_266 = arith.constant 64 : i32
        %mul3A_267 = arith.muli %select_n3A_265, %mul3A_266 : i32
        %add3A_268 = arith.addi %mul3A_2, %mul3A_267 : i32
        %dma_wait3A_269 = arith.constant 0 : i32
        %dma_wait3A_270 = tpu.memref_slice %arg4[%select_n3A, %add3A_268, %dma_wait3A_269] : memref<50x4096x128xf32, #tpu.memory_space<hbm>> -> memref<1x64x128xf32, #tpu.memory_space<hbm>>
        %dma_wait3A_271 = tpu.memref_squeeze %dma_wait3A_270 : memref<1x64x128xf32, #tpu.memory_space<hbm>> -> memref<64x128xf32, #tpu.memory_space<hbm>>
        %dma_wait3A_272 = arith.constant 0 : i32
        %dma_wait3A_273 = tpu.memref_slice %arg4[%select_n3A, %add3A_268, %dma_wait3A_272] : memref<50x4096x128xf32, #tpu.memory_space<hbm>> -> memref<1x64x128xf32, #tpu.memory_space<hbm>>
        %dma_wait3A_274 = tpu.memref_squeeze %dma_wait3A_273 : memref<1x64x128xf32, #tpu.memory_space<hbm>> -> memref<64x128xf32, #tpu.memory_space<hbm>>
        tpu.wait_dma2 semaphore(%arg19 : memref<!tpu.dma_semaphore, #tpu.memory_space<semaphore_mem>>) src(%arg7 : memref<64x128xf32, #tpu.memory_space<vmem>>) dst(%dma_wait3A_274 : memref<64x128xf32, #tpu.memory_space<hbm>>)
      } else {
      }
      %lt3A_155 = arith.constant 100 : i32
      %lt3A_156 = arith.cmpi slt, %add3A_146, %lt3A_155 : i32
      %convert_element_type3A_157 = arith.extui %lt3A_156 : i1 to i32
      %cond3A_158 = arith.constant 0 : i32
      %cond3A_159 = arith.cmpi ne, %convert_element_type3A_157, %cond3A_158 : i32
      scf.if %cond3A_159 {
        %jit3A = arith.constant 2 : i32
        %div3A = arith.divsi %add3A_146, %jit3A : i32
        %sign3A = arith.constant 0 : i32
        %sign3A_232 = arith.cmpi sgt, %add3A_146, %sign3A : i32
        %sign3A_233 = arith.extui %sign3A_232 : i1 to i32
        %sign3A_234 = arith.constant 0 : i32
        %sign3A_235 = arith.cmpi slt, %add3A_146, %sign3A_234 : i32
        %sign3A_236 = arith.extui %sign3A_235 : i1 to i32
        %sign3A_237 = arith.subi %sign3A_233, %sign3A_236 : i32
        %sign3A_238 = arith.constant 0 : i32
        %sign3A_239 = arith.cmpi sgt, %jit3A, %sign3A_238 : i32
        %sign3A_240 = arith.extui %sign3A_239 : i1 to i32
        %sign3A_241 = arith.constant 0 : i32
        %sign3A_242 = arith.cmpi slt, %jit3A, %sign3A_241 : i32
        %sign3A_243 = arith.extui %sign3A_242 : i1 to i32
        %sign3A_244 = arith.subi %sign3A_240, %sign3A_243 : i32
        %ne3A = arith.cmpi ne, %sign3A_237, %sign3A_244 : i32
        %rem3A = arith.remsi %add3A_146, %jit3A : i32
        %ne3A_245 = arith.constant 0 : i32
        %ne3A_246 = arith.cmpi ne, %rem3A, %ne3A_245 : i32
        %and3A_247 = arith.andi %ne3A, %ne3A_246 : i1
        %sub3A = arith.constant 1 : i32
        %sub3A_248 = arith.subi %div3A, %sub3A : i32
        %select_n3A = arith.select %and3A_247, %sub3A_248, %div3A : i32
        %jit3A_249 = arith.constant 2 : i32
        %eq3A = arith.constant 0 : i32
        %eq3A_250 = arith.cmpi eq, %jit3A_249, %eq3A : i32
        %jit3A_251 = arith.constant 1 : i32
        %select_n3A_252 = arith.select %eq3A_250, %jit3A_251, %jit3A_249 : i32
        %rem3A_253 = arith.remsi %add3A_146, %select_n3A_252 : i32
        %ne3A_254 = arith.constant 0 : i32
        %ne3A_255 = arith.cmpi ne, %rem3A_253, %ne3A_254 : i32
        %lt3A_256 = arith.constant 0 : i32
        %lt3A_257 = arith.cmpi slt, %rem3A_253, %lt3A_256 : i32
        %lt3A_258 = arith.constant 0 : i32
        %lt3A_259 = arith.cmpi slt, %select_n3A_252, %lt3A_258 : i32
        %ne3A_260 = arith.xori %lt3A_257, %lt3A_259 : i1
        %and3A_261 = arith.andi %ne3A_260, %ne3A_255 : i1
        %add3A_262 = arith.addi %rem3A_253, %select_n3A_252 : i32
        %select_n3A_263 = arith.select %and3A_261, %add3A_262, %rem3A_253 : i32
        %mul3A_264 = arith.constant 64 : i32
        %mul3A_265 = arith.muli %select_n3A_263, %mul3A_264 : i32
        %dma_start3A_266 = tpu.memref_slice %arg5[%select_n3A, %mul3A_265] : memref<50x128xi32, #tpu.memory_space<vmem>> -> memref<1x64xi32, #tpu.memory_space<vmem>>
        %dma_start3A_267 = tpu.memref_squeeze %dma_start3A_266 : memref<1x64xi32, #tpu.memory_space<vmem>> -> memref<64xi32, #tpu.memory_space<vmem>>
        %dma_start3A_268 = arith.constant 0 : i32
        %dma_start3A_269 = arith.constant 0 : i32
        %dma_start3A_270 = tpu.memref_slice %arg6[%dma_start3A_268, %dma_start3A_269] : memref<8192x128xf32, #tpu.memory_space<vmem_shared>> -> memref<8192x128xf32, #tpu.memory_space<vmem_shared>>
        tpu.enqueue_indirect_dma source(%dma_start3A_270 : memref<8192x128xf32, #tpu.memory_space<vmem_shared>>) target(%arg7 : memref<64x128xf32, #tpu.memory_space<vmem>>) offsets(%dma_start3A_267 : memref<64xi32, #tpu.memory_space<vmem>>) semaphore(%arg13 : memref<!tpu.dma_semaphore, #tpu.memory_space<semaphore_mem>>)
      } else {
      }
      %mul3A_160 = arith.constant 6 : i32
      %mul3A_161 = arith.muli %scan3A_92, %mul3A_160 : i32
      %add3A_162 = arith.constant 3 : i32
      %add3A_163 = arith.addi %mul3A_161, %add3A_162 : i32
      %lt3A_164 = arith.constant 100 : i32
      %lt3A_165 = arith.cmpi slt, %add3A_163, %lt3A_164 : i32
      %convert_element_type3A_166 = arith.extui %lt3A_165 : i1 to i32
      %cond3A_167 = arith.constant 0 : i32
      %cond3A_168 = arith.cmpi ne, %convert_element_type3A_166, %cond3A_167 : i32
      scf.if %cond3A_168 {
        %jit3A = arith.constant 2 : i32
        %div3A = arith.divsi %add3A_163, %jit3A : i32
        %sign3A = arith.constant 0 : i32
        %sign3A_232 = arith.cmpi sgt, %add3A_163, %sign3A : i32
        %sign3A_233 = arith.extui %sign3A_232 : i1 to i32
        %sign3A_234 = arith.constant 0 : i32
        %sign3A_235 = arith.cmpi slt, %add3A_163, %sign3A_234 : i32
        %sign3A_236 = arith.extui %sign3A_235 : i1 to i32
        %sign3A_237 = arith.subi %sign3A_233, %sign3A_236 : i32
        %sign3A_238 = arith.constant 0 : i32
        %sign3A_239 = arith.cmpi sgt, %jit3A, %sign3A_238 : i32
        %sign3A_240 = arith.extui %sign3A_239 : i1 to i32
        %sign3A_241 = arith.constant 0 : i32
        %sign3A_242 = arith.cmpi slt, %jit3A, %sign3A_241 : i32
        %sign3A_243 = arith.extui %sign3A_242 : i1 to i32
        %sign3A_244 = arith.subi %sign3A_240, %sign3A_243 : i32
        %ne3A = arith.cmpi ne, %sign3A_237, %sign3A_244 : i32
        %rem3A = arith.remsi %add3A_163, %jit3A : i32
        %ne3A_245 = arith.constant 0 : i32
        %ne3A_246 = arith.cmpi ne, %rem3A, %ne3A_245 : i32
        %and3A_247 = arith.andi %ne3A, %ne3A_246 : i1
        %sub3A = arith.constant 1 : i32
        %sub3A_248 = arith.subi %div3A, %sub3A : i32
        %select_n3A = arith.select %and3A_247, %sub3A_248, %div3A : i32
        %jit3A_249 = arith.constant 2 : i32
        %eq3A = arith.constant 0 : i32
        %eq3A_250 = arith.cmpi eq, %jit3A_249, %eq3A : i32
        %jit3A_251 = arith.constant 1 : i32
        %select_n3A_252 = arith.select %eq3A_250, %jit3A_251, %jit3A_249 : i32
        %rem3A_253 = arith.remsi %add3A_163, %select_n3A_252 : i32
        %ne3A_254 = arith.constant 0 : i32
        %ne3A_255 = arith.cmpi ne, %rem3A_253, %ne3A_254 : i32
        %lt3A_256 = arith.constant 0 : i32
        %lt3A_257 = arith.cmpi slt, %rem3A_253, %lt3A_256 : i32
        %lt3A_258 = arith.constant 0 : i32
        %lt3A_259 = arith.cmpi slt, %select_n3A_252, %lt3A_258 : i32
        %ne3A_260 = arith.xori %lt3A_257, %lt3A_259 : i1
        %and3A_261 = arith.andi %ne3A_260, %ne3A_255 : i1
        %add3A_262 = arith.addi %rem3A_253, %select_n3A_252 : i32
        %select_n3A_263 = arith.select %and3A_261, %add3A_262, %rem3A_253 : i32
        %mul3A_264 = arith.constant 64 : i32
        %mul3A_265 = arith.muli %select_n3A_263, %mul3A_264 : i32
        %dma_wait3A_266 = tpu.memref_slice %arg5[%select_n3A, %mul3A_265] : memref<50x128xi32, #tpu.memory_space<vmem>> -> memref<1x64xi32, #tpu.memory_space<vmem>>
        %dma_wait3A_267 = tpu.memref_squeeze %dma_wait3A_266 : memref<1x64xi32, #tpu.memory_space<vmem>> -> memref<64xi32, #tpu.memory_space<vmem>>
        %dma_wait3A_268 = arith.constant 0 : i32
        %dma_wait3A_269 = arith.constant 0 : i32
        %dma_wait3A_270 = tpu.memref_slice %arg6[%dma_wait3A_268, %dma_wait3A_269] : memref<8192x128xf32, #tpu.memory_space<vmem_shared>> -> memref<8192x128xf32, #tpu.memory_space<vmem_shared>>
        tpu.wait_indirect_dma semaphore(%arg16 : memref<!tpu.dma_semaphore, #tpu.memory_space<semaphore_mem>>) src(%dma_wait3A_270 : memref<8192x128xf32, #tpu.memory_space<vmem_shared>>) dst(%arg10 : memref<64x128xf32, #tpu.memory_space<vmem>>)
        %jit3A_271 = arith.constant 2 : i32
        %div3A_272 = arith.divsi %add3A_163, %jit3A_271 : i32
        %sign3A_273 = arith.constant 0 : i32
        %sign3A_274 = arith.cmpi sgt, %add3A_163, %sign3A_273 : i32
        %sign3A_275 = arith.extui %sign3A_274 : i1 to i32
        %sign3A_276 = arith.constant 0 : i32
        %sign3A_277 = arith.cmpi slt, %add3A_163, %sign3A_276 : i32
        %sign3A_278 = arith.extui %sign3A_277 : i1 to i32
        %sign3A_279 = arith.subi %sign3A_275, %sign3A_278 : i32
        %sign3A_280 = arith.constant 0 : i32
        %sign3A_281 = arith.cmpi sgt, %jit3A_271, %sign3A_280 : i32
        %sign3A_282 = arith.extui %sign3A_281 : i1 to i32
        %sign3A_283 = arith.constant 0 : i32
        %sign3A_284 = arith.cmpi slt, %jit3A_271, %sign3A_283 : i32
        %sign3A_285 = arith.extui %sign3A_284 : i1 to i32
        %sign3A_286 = arith.subi %sign3A_282, %sign3A_285 : i32
        %ne3A_287 = arith.cmpi ne, %sign3A_279, %sign3A_286 : i32
        %rem3A_288 = arith.remsi %add3A_163, %jit3A_271 : i32
        %ne3A_289 = arith.constant 0 : i32
        %ne3A_290 = arith.cmpi ne, %rem3A_288, %ne3A_289 : i32
        %and3A_291 = arith.andi %ne3A_287, %ne3A_290 : i1
        %sub3A_292 = arith.constant 1 : i32
        %sub3A_293 = arith.subi %div3A_272, %sub3A_292 : i32
        %select_n3A_294 = arith.select %and3A_291, %sub3A_293, %div3A_272 : i32
        %jit3A_295 = arith.constant 2 : i32
        %eq3A_296 = arith.constant 0 : i32
        %eq3A_297 = arith.cmpi eq, %jit3A_295, %eq3A_296 : i32
        %jit3A_298 = arith.constant 1 : i32
        %select_n3A_299 = arith.select %eq3A_297, %jit3A_298, %jit3A_295 : i32
        %rem3A_300 = arith.remsi %add3A_163, %select_n3A_299 : i32
        %ne3A_301 = arith.constant 0 : i32
        %ne3A_302 = arith.cmpi ne, %rem3A_300, %ne3A_301 : i32
        %lt3A_303 = arith.constant 0 : i32
        %lt3A_304 = arith.cmpi slt, %rem3A_300, %lt3A_303 : i32
        %lt3A_305 = arith.constant 0 : i32
        %lt3A_306 = arith.cmpi slt, %select_n3A_299, %lt3A_305 : i32
        %ne3A_307 = arith.xori %lt3A_304, %lt3A_306 : i1
        %and3A_308 = arith.andi %ne3A_307, %ne3A_302 : i1
        %add3A_309 = arith.addi %rem3A_300, %select_n3A_299 : i32
        %select_n3A_310 = arith.select %and3A_308, %add3A_309, %rem3A_300 : i32
        %mul3A_311 = arith.constant 64 : i32
        %mul3A_312 = arith.muli %select_n3A_310, %mul3A_311 : i32
        %add3A_313 = arith.addi %mul3A_2, %mul3A_312 : i32
        %dma_start3A_314 = arith.constant 0 : i32
        %dma_start3A_315 = tpu.memref_slice %arg4[%select_n3A_294, %add3A_313, %dma_start3A_314] : memref<50x4096x128xf32, #tpu.memory_space<hbm>> -> memref<1x64x128xf32, #tpu.memory_space<hbm>>
        %dma_start3A_316 = tpu.memref_squeeze %dma_start3A_315 : memref<1x64x128xf32, #tpu.memory_space<hbm>> -> memref<64x128xf32, #tpu.memory_space<hbm>>
        %dma_start3A_317 = arith.constant 0 : i32
        %dma_start3A_318 = tpu.memref_slice %arg4[%select_n3A_294, %add3A_313, %dma_start3A_317] : memref<50x4096x128xf32, #tpu.memory_space<hbm>> -> memref<1x64x128xf32, #tpu.memory_space<hbm>>
        %dma_start3A_319 = tpu.memref_squeeze %dma_start3A_318 : memref<1x64x128xf32, #tpu.memory_space<hbm>> -> memref<64x128xf32, #tpu.memory_space<hbm>>
        tpu.enqueue_dma source(%arg10 : memref<64x128xf32, #tpu.memory_space<vmem>>) target(%dma_start3A_319 : memref<64x128xf32, #tpu.memory_space<hbm>>) target_semaphore(%arg22 : memref<!tpu.dma_semaphore, #tpu.memory_space<semaphore_mem>>)
      } else {
      }
      %add3A_169 = arith.constant 4 : i32
      %add3A_170 = arith.addi %add3A_163, %add3A_169 : i32
      %ge3A_171 = arith.constant 6 : i32
      %ge3A_172 = arith.cmpi sge, %add3A_170, %ge3A_171 : i32
      %lt3A_173 = arith.constant 100 : i32
      %lt3A_174 = arith.cmpi slt, %add3A_170, %lt3A_173 : i32
      %and3A_175 = arith.andi %ge3A_172, %lt3A_174 : i1
      %convert_element_type3A_176 = arith.extui %and3A_175 : i1 to i32
      %cond3A_177 = arith.constant 0 : i32
      %cond3A_178 = arith.cmpi ne, %convert_element_type3A_176, %cond3A_177 : i32
      scf.if %cond3A_178 {
        %sub3A = arith.constant 6 : i32
        %sub3A_232 = arith.subi %add3A_170, %sub3A : i32
        %jit3A = arith.constant 2 : i32
        %div3A = arith.divsi %sub3A_232, %jit3A : i32
        %sign3A = arith.constant 0 : i32
        %sign3A_233 = arith.cmpi sgt, %sub3A_232, %sign3A : i32
        %sign3A_234 = arith.extui %sign3A_233 : i1 to i32
        %sign3A_235 = arith.constant 0 : i32
        %sign3A_236 = arith.cmpi slt, %sub3A_232, %sign3A_235 : i32
        %sign3A_237 = arith.extui %sign3A_236 : i1 to i32
        %sign3A_238 = arith.subi %sign3A_234, %sign3A_237 : i32
        %sign3A_239 = arith.constant 0 : i32
        %sign3A_240 = arith.cmpi sgt, %jit3A, %sign3A_239 : i32
        %sign3A_241 = arith.extui %sign3A_240 : i1 to i32
        %sign3A_242 = arith.constant 0 : i32
        %sign3A_243 = arith.cmpi slt, %jit3A, %sign3A_242 : i32
        %sign3A_244 = arith.extui %sign3A_243 : i1 to i32
        %sign3A_245 = arith.subi %sign3A_241, %sign3A_244 : i32
        %ne3A = arith.cmpi ne, %sign3A_238, %sign3A_245 : i32
        %rem3A = arith.remsi %sub3A_232, %jit3A : i32
        %ne3A_246 = arith.constant 0 : i32
        %ne3A_247 = arith.cmpi ne, %rem3A, %ne3A_246 : i32
        %and3A_248 = arith.andi %ne3A, %ne3A_247 : i1
        %sub3A_249 = arith.constant 1 : i32
        %sub3A_250 = arith.subi %div3A, %sub3A_249 : i32
        %select_n3A = arith.select %and3A_248, %sub3A_250, %div3A : i32
        %jit3A_251 = arith.constant 2 : i32
        %eq3A = arith.constant 0 : i32
        %eq3A_252 = arith.cmpi eq, %jit3A_251, %eq3A : i32
        %jit3A_253 = arith.constant 1 : i32
        %select_n3A_254 = arith.select %eq3A_252, %jit3A_253, %jit3A_251 : i32
        %rem3A_255 = arith.remsi %sub3A_232, %select_n3A_254 : i32
        %ne3A_256 = arith.constant 0 : i32
        %ne3A_257 = arith.cmpi ne, %rem3A_255, %ne3A_256 : i32
        %lt3A_258 = arith.constant 0 : i32
        %lt3A_259 = arith.cmpi slt, %rem3A_255, %lt3A_258 : i32
        %lt3A_260 = arith.constant 0 : i32
        %lt3A_261 = arith.cmpi slt, %select_n3A_254, %lt3A_260 : i32
        %ne3A_262 = arith.xori %lt3A_259, %lt3A_261 : i1
        %and3A_263 = arith.andi %ne3A_262, %ne3A_257 : i1
        %add3A_264 = arith.addi %rem3A_255, %select_n3A_254 : i32
        %select_n3A_265 = arith.select %and3A_263, %add3A_264, %rem3A_255 : i32
        %mul3A_266 = arith.constant 64 : i32
        %mul3A_267 = arith.muli %select_n3A_265, %mul3A_266 : i32
        %add3A_268 = arith.addi %mul3A_2, %mul3A_267 : i32
        %dma_wait3A_269 = arith.constant 0 : i32
        %dma_wait3A_270 = tpu.memref_slice %arg4[%select_n3A, %add3A_268, %dma_wait3A_269] : memref<50x4096x128xf32, #tpu.memory_space<hbm>> -> memref<1x64x128xf32, #tpu.memory_space<hbm>>
        %dma_wait3A_271 = tpu.memref_squeeze %dma_wait3A_270 : memref<1x64x128xf32, #tpu.memory_space<hbm>> -> memref<64x128xf32, #tpu.memory_space<hbm>>
        %dma_wait3A_272 = arith.constant 0 : i32
        %dma_wait3A_273 = tpu.memref_slice %arg4[%select_n3A, %add3A_268, %dma_wait3A_272] : memref<50x4096x128xf32, #tpu.memory_space<hbm>> -> memref<1x64x128xf32, #tpu.memory_space<hbm>>
        %dma_wait3A_274 = tpu.memref_squeeze %dma_wait3A_273 : memref<1x64x128xf32, #tpu.memory_space<hbm>> -> memref<64x128xf32, #tpu.memory_space<hbm>>
        tpu.wait_dma2 semaphore(%arg20 : memref<!tpu.dma_semaphore, #tpu.memory_space<semaphore_mem>>) src(%arg8 : memref<64x128xf32, #tpu.memory_space<vmem>>) dst(%dma_wait3A_274 : memref<64x128xf32, #tpu.memory_space<hbm>>)
      } else {
      }
      %lt3A_179 = arith.constant 100 : i32
      %lt3A_180 = arith.cmpi slt, %add3A_170, %lt3A_179 : i32
      %convert_element_type3A_181 = arith.extui %lt3A_180 : i1 to i32
      %cond3A_182 = arith.constant 0 : i32
      %cond3A_183 = arith.cmpi ne, %convert_element_type3A_181, %cond3A_182 : i32
      scf.if %cond3A_183 {
        %jit3A = arith.constant 2 : i32
        %div3A = arith.divsi %add3A_170, %jit3A : i32
        %sign3A = arith.constant 0 : i32
        %sign3A_232 = arith.cmpi sgt, %add3A_170, %sign3A : i32
        %sign3A_233 = arith.extui %sign3A_232 : i1 to i32
        %sign3A_234 = arith.constant 0 : i32
        %sign3A_235 = arith.cmpi slt, %add3A_170, %sign3A_234 : i32
        %sign3A_236 = arith.extui %sign3A_235 : i1 to i32
        %sign3A_237 = arith.subi %sign3A_233, %sign3A_236 : i32
        %sign3A_238 = arith.constant 0 : i32
        %sign3A_239 = arith.cmpi sgt, %jit3A, %sign3A_238 : i32
        %sign3A_240 = arith.extui %sign3A_239 : i1 to i32
        %sign3A_241 = arith.constant 0 : i32
        %sign3A_242 = arith.cmpi slt, %jit3A, %sign3A_241 : i32
        %sign3A_243 = arith.extui %sign3A_242 : i1 to i32
        %sign3A_244 = arith.subi %sign3A_240, %sign3A_243 : i32
        %ne3A = arith.cmpi ne, %sign3A_237, %sign3A_244 : i32
        %rem3A = arith.remsi %add3A_170, %jit3A : i32
        %ne3A_245 = arith.constant 0 : i32
        %ne3A_246 = arith.cmpi ne, %rem3A, %ne3A_245 : i32
        %and3A_247 = arith.andi %ne3A, %ne3A_246 : i1
        %sub3A = arith.constant 1 : i32
        %sub3A_248 = arith.subi %div3A, %sub3A : i32
        %select_n3A = arith.select %and3A_247, %sub3A_248, %div3A : i32
        %jit3A_249 = arith.constant 2 : i32
        %eq3A = arith.constant 0 : i32
        %eq3A_250 = arith.cmpi eq, %jit3A_249, %eq3A : i32
        %jit3A_251 = arith.constant 1 : i32
        %select_n3A_252 = arith.select %eq3A_250, %jit3A_251, %jit3A_249 : i32
        %rem3A_253 = arith.remsi %add3A_170, %select_n3A_252 : i32
        %ne3A_254 = arith.constant 0 : i32
        %ne3A_255 = arith.cmpi ne, %rem3A_253, %ne3A_254 : i32
        %lt3A_256 = arith.constant 0 : i32
        %lt3A_257 = arith.cmpi slt, %rem3A_253, %lt3A_256 : i32
        %lt3A_258 = arith.constant 0 : i32
        %lt3A_259 = arith.cmpi slt, %select_n3A_252, %lt3A_258 : i32
        %ne3A_260 = arith.xori %lt3A_257, %lt3A_259 : i1
        %and3A_261 = arith.andi %ne3A_260, %ne3A_255 : i1
        %add3A_262 = arith.addi %rem3A_253, %select_n3A_252 : i32
        %select_n3A_263 = arith.select %and3A_261, %add3A_262, %rem3A_253 : i32
        %mul3A_264 = arith.constant 64 : i32
        %mul3A_265 = arith.muli %select_n3A_263, %mul3A_264 : i32
        %dma_start3A_266 = tpu.memref_slice %arg5[%select_n3A, %mul3A_265] : memref<50x128xi32, #tpu.memory_space<vmem>> -> memref<1x64xi32, #tpu.memory_space<vmem>>
        %dma_start3A_267 = tpu.memref_squeeze %dma_start3A_266 : memref<1x64xi32, #tpu.memory_space<vmem>> -> memref<64xi32, #tpu.memory_space<vmem>>
        %dma_start3A_268 = arith.constant 0 : i32
        %dma_start3A_269 = arith.constant 0 : i32
        %dma_start3A_270 = tpu.memref_slice %arg6[%dma_start3A_268, %dma_start3A_269] : memref<8192x128xf32, #tpu.memory_space<vmem_shared>> -> memref<8192x128xf32, #tpu.memory_space<vmem_shared>>
        tpu.enqueue_indirect_dma source(%dma_start3A_270 : memref<8192x128xf32, #tpu.memory_space<vmem_shared>>) target(%arg8 : memref<64x128xf32, #tpu.memory_space<vmem>>) offsets(%dma_start3A_267 : memref<64xi32, #tpu.memory_space<vmem>>) semaphore(%arg14 : memref<!tpu.dma_semaphore, #tpu.memory_space<semaphore_mem>>)
      } else {
      }
      %mul3A_184 = arith.constant 6 : i32
      %mul3A_185 = arith.muli %scan3A_92, %mul3A_184 : i32
      %add3A_186 = arith.constant 4 : i32
      %add3A_187 = arith.addi %mul3A_185, %add3A_186 : i32
      %lt3A_188 = arith.constant 100 : i32
      %lt3A_189 = arith.cmpi slt, %add3A_187, %lt3A_188 : i32
      %convert_element_type3A_190 = arith.extui %lt3A_189 : i1 to i32
      %cond3A_191 = arith.constant 0 : i32
      %cond3A_192 = arith.cmpi ne, %convert_element_type3A_190, %cond3A_191 : i32
      scf.if %cond3A_192 {
        %jit3A = arith.constant 2 : i32
        %div3A = arith.divsi %add3A_187, %jit3A : i32
        %sign3A = arith.constant 0 : i32
        %sign3A_232 = arith.cmpi sgt, %add3A_187, %sign3A : i32
        %sign3A_233 = arith.extui %sign3A_232 : i1 to i32
        %sign3A_234 = arith.constant 0 : i32
        %sign3A_235 = arith.cmpi slt, %add3A_187, %sign3A_234 : i32
        %sign3A_236 = arith.extui %sign3A_235 : i1 to i32
        %sign3A_237 = arith.subi %sign3A_233, %sign3A_236 : i32
        %sign3A_238 = arith.constant 0 : i32
        %sign3A_239 = arith.cmpi sgt, %jit3A, %sign3A_238 : i32
        %sign3A_240 = arith.extui %sign3A_239 : i1 to i32
        %sign3A_241 = arith.constant 0 : i32
        %sign3A_242 = arith.cmpi slt, %jit3A, %sign3A_241 : i32
        %sign3A_243 = arith.extui %sign3A_242 : i1 to i32
        %sign3A_244 = arith.subi %sign3A_240, %sign3A_243 : i32
        %ne3A = arith.cmpi ne, %sign3A_237, %sign3A_244 : i32
        %rem3A = arith.remsi %add3A_187, %jit3A : i32
        %ne3A_245 = arith.constant 0 : i32
        %ne3A_246 = arith.cmpi ne, %rem3A, %ne3A_245 : i32
        %and3A_247 = arith.andi %ne3A, %ne3A_246 : i1
        %sub3A = arith.constant 1 : i32
        %sub3A_248 = arith.subi %div3A, %sub3A : i32
        %select_n3A = arith.select %and3A_247, %sub3A_248, %div3A : i32
        %jit3A_249 = arith.constant 2 : i32
        %eq3A = arith.constant 0 : i32
        %eq3A_250 = arith.cmpi eq, %jit3A_249, %eq3A : i32
        %jit3A_251 = arith.constant 1 : i32
        %select_n3A_252 = arith.select %eq3A_250, %jit3A_251, %jit3A_249 : i32
        %rem3A_253 = arith.remsi %add3A_187, %select_n3A_252 : i32
        %ne3A_254 = arith.constant 0 : i32
        %ne3A_255 = arith.cmpi ne, %rem3A_253, %ne3A_254 : i32
        %lt3A_256 = arith.constant 0 : i32
        %lt3A_257 = arith.cmpi slt, %rem3A_253, %lt3A_256 : i32
        %lt3A_258 = arith.constant 0 : i32
        %lt3A_259 = arith.cmpi slt, %select_n3A_252, %lt3A_258 : i32
        %ne3A_260 = arith.xori %lt3A_257, %lt3A_259 : i1
        %and3A_261 = arith.andi %ne3A_260, %ne3A_255 : i1
        %add3A_262 = arith.addi %rem3A_253, %select_n3A_252 : i32
        %select_n3A_263 = arith.select %and3A_261, %add3A_262, %rem3A_253 : i32
        %mul3A_264 = arith.constant 64 : i32
        %mul3A_265 = arith.muli %select_n3A_263, %mul3A_264 : i32
        %dma_wait3A_266 = tpu.memref_slice %arg5[%select_n3A, %mul3A_265] : memref<50x128xi32, #tpu.memory_space<vmem>> -> memref<1x64xi32, #tpu.memory_space<vmem>>
        %dma_wait3A_267 = tpu.memref_squeeze %dma_wait3A_266 : memref<1x64xi32, #tpu.memory_space<vmem>> -> memref<64xi32, #tpu.memory_space<vmem>>
        %dma_wait3A_268 = arith.constant 0 : i32
        %dma_wait3A_269 = arith.constant 0 : i32
        %dma_wait3A_270 = tpu.memref_slice %arg6[%dma_wait3A_268, %dma_wait3A_269] : memref<8192x128xf32, #tpu.memory_space<vmem_shared>> -> memref<8192x128xf32, #tpu.memory_space<vmem_shared>>
        tpu.wait_indirect_dma semaphore(%arg17 : memref<!tpu.dma_semaphore, #tpu.memory_space<semaphore_mem>>) src(%dma_wait3A_270 : memref<8192x128xf32, #tpu.memory_space<vmem_shared>>) dst(%arg11 : memref<64x128xf32, #tpu.memory_space<vmem>>)
        %jit3A_271 = arith.constant 2 : i32
        %div3A_272 = arith.divsi %add3A_187, %jit3A_271 : i32
        %sign3A_273 = arith.constant 0 : i32
        %sign3A_274 = arith.cmpi sgt, %add3A_187, %sign3A_273 : i32
        %sign3A_275 = arith.extui %sign3A_274 : i1 to i32
        %sign3A_276 = arith.constant 0 : i32
        %sign3A_277 = arith.cmpi slt, %add3A_187, %sign3A_276 : i32
        %sign3A_278 = arith.extui %sign3A_277 : i1 to i32
        %sign3A_279 = arith.subi %sign3A_275, %sign3A_278 : i32
        %sign3A_280 = arith.constant 0 : i32
        %sign3A_281 = arith.cmpi sgt, %jit3A_271, %sign3A_280 : i32
        %sign3A_282 = arith.extui %sign3A_281 : i1 to i32
        %sign3A_283 = arith.constant 0 : i32
        %sign3A_284 = arith.cmpi slt, %jit3A_271, %sign3A_283 : i32
        %sign3A_285 = arith.extui %sign3A_284 : i1 to i32
        %sign3A_286 = arith.subi %sign3A_282, %sign3A_285 : i32
        %ne3A_287 = arith.cmpi ne, %sign3A_279, %sign3A_286 : i32
        %rem3A_288 = arith.remsi %add3A_187, %jit3A_271 : i32
        %ne3A_289 = arith.constant 0 : i32
        %ne3A_290 = arith.cmpi ne, %rem3A_288, %ne3A_289 : i32
        %and3A_291 = arith.andi %ne3A_287, %ne3A_290 : i1
        %sub3A_292 = arith.constant 1 : i32
        %sub3A_293 = arith.subi %div3A_272, %sub3A_292 : i32
        %select_n3A_294 = arith.select %and3A_291, %sub3A_293, %div3A_272 : i32
        %jit3A_295 = arith.constant 2 : i32
        %eq3A_296 = arith.constant 0 : i32
        %eq3A_297 = arith.cmpi eq, %jit3A_295, %eq3A_296 : i32
        %jit3A_298 = arith.constant 1 : i32
        %select_n3A_299 = arith.select %eq3A_297, %jit3A_298, %jit3A_295 : i32
        %rem3A_300 = arith.remsi %add3A_187, %select_n3A_299 : i32
        %ne3A_301 = arith.constant 0 : i32
        %ne3A_302 = arith.cmpi ne, %rem3A_300, %ne3A_301 : i32
        %lt3A_303 = arith.constant 0 : i32
        %lt3A_304 = arith.cmpi slt, %rem3A_300, %lt3A_303 : i32
        %lt3A_305 = arith.constant 0 : i32
        %lt3A_306 = arith.cmpi slt, %select_n3A_299, %lt3A_305 : i32
        %ne3A_307 = arith.xori %lt3A_304, %lt3A_306 : i1
        %and3A_308 = arith.andi %ne3A_307, %ne3A_302 : i1
        %add3A_309 = arith.addi %rem3A_300, %select_n3A_299 : i32
        %select_n3A_310 = arith.select %and3A_308, %add3A_309, %rem3A_300 : i32
        %mul3A_311 = arith.constant 64 : i32
        %mul3A_312 = arith.muli %select_n3A_310, %mul3A_311 : i32
        %add3A_313 = arith.addi %mul3A_2, %mul3A_312 : i32
        %dma_start3A_314 = arith.constant 0 : i32
        %dma_start3A_315 = tpu.memref_slice %arg4[%select_n3A_294, %add3A_313, %dma_start3A_314] : memref<50x4096x128xf32, #tpu.memory_space<hbm>> -> memref<1x64x128xf32, #tpu.memory_space<hbm>>
        %dma_start3A_316 = tpu.memref_squeeze %dma_start3A_315 : memref<1x64x128xf32, #tpu.memory_space<hbm>> -> memref<64x128xf32, #tpu.memory_space<hbm>>
        %dma_start3A_317 = arith.constant 0 : i32
        %dma_start3A_318 = tpu.memref_slice %arg4[%select_n3A_294, %add3A_313, %dma_start3A_317] : memref<50x4096x128xf32, #tpu.memory_space<hbm>> -> memref<1x64x128xf32, #tpu.memory_space<hbm>>
        %dma_start3A_319 = tpu.memref_squeeze %dma_start3A_318 : memref<1x64x128xf32, #tpu.memory_space<hbm>> -> memref<64x128xf32, #tpu.memory_space<hbm>>
        tpu.enqueue_dma source(%arg11 : memref<64x128xf32, #tpu.memory_space<vmem>>) target(%dma_start3A_319 : memref<64x128xf32, #tpu.memory_space<hbm>>) target_semaphore(%arg23 : memref<!tpu.dma_semaphore, #tpu.memory_space<semaphore_mem>>)
      } else {
      }
      %add3A_193 = arith.constant 4 : i32
      %add3A_194 = arith.addi %add3A_187, %add3A_193 : i32
      %ge3A_195 = arith.constant 6 : i32
      %ge3A_196 = arith.cmpi sge, %add3A_194, %ge3A_195 : i32
      %lt3A_197 = arith.constant 100 : i32
      %lt3A_198 = arith.cmpi slt, %add3A_194, %lt3A_197 : i32
      %and3A_199 = arith.andi %ge3A_196, %lt3A_198 : i1
      %convert_element_type3A_200 = arith.extui %and3A_199 : i1 to i32
      %cond3A_201 = arith.constant 0 : i32
      %cond3A_202 = arith.cmpi ne, %convert_element_type3A_200, %cond3A_201 : i32
      scf.if %cond3A_202 {
        %sub3A = arith.constant 6 : i32
        %sub3A_232 = arith.subi %add3A_194, %sub3A : i32
        %jit3A = arith.constant 2 : i32
        %div3A = arith.divsi %sub3A_232, %jit3A : i32
        %sign3A = arith.constant 0 : i32
        %sign3A_233 = arith.cmpi sgt, %sub3A_232, %sign3A : i32
        %sign3A_234 = arith.extui %sign3A_233 : i1 to i32
        %sign3A_235 = arith.constant 0 : i32
        %sign3A_236 = arith.cmpi slt, %sub3A_232, %sign3A_235 : i32
        %sign3A_237 = arith.extui %sign3A_236 : i1 to i32
        %sign3A_238 = arith.subi %sign3A_234, %sign3A_237 : i32
        %sign3A_239 = arith.constant 0 : i32
        %sign3A_240 = arith.cmpi sgt, %jit3A, %sign3A_239 : i32
        %sign3A_241 = arith.extui %sign3A_240 : i1 to i32
        %sign3A_242 = arith.constant 0 : i32
        %sign3A_243 = arith.cmpi slt, %jit3A, %sign3A_242 : i32
        %sign3A_244 = arith.extui %sign3A_243 : i1 to i32
        %sign3A_245 = arith.subi %sign3A_241, %sign3A_244 : i32
        %ne3A = arith.cmpi ne, %sign3A_238, %sign3A_245 : i32
        %rem3A = arith.remsi %sub3A_232, %jit3A : i32
        %ne3A_246 = arith.constant 0 : i32
        %ne3A_247 = arith.cmpi ne, %rem3A, %ne3A_246 : i32
        %and3A_248 = arith.andi %ne3A, %ne3A_247 : i1
        %sub3A_249 = arith.constant 1 : i32
        %sub3A_250 = arith.subi %div3A, %sub3A_249 : i32
        %select_n3A = arith.select %and3A_248, %sub3A_250, %div3A : i32
        %jit3A_251 = arith.constant 2 : i32
        %eq3A = arith.constant 0 : i32
        %eq3A_252 = arith.cmpi eq, %jit3A_251, %eq3A : i32
        %jit3A_253 = arith.constant 1 : i32
        %select_n3A_254 = arith.select %eq3A_252, %jit3A_253, %jit3A_251 : i32
        %rem3A_255 = arith.remsi %sub3A_232, %select_n3A_254 : i32
        %ne3A_256 = arith.constant 0 : i32
        %ne3A_257 = arith.cmpi ne, %rem3A_255, %ne3A_256 : i32
        %lt3A_258 = arith.constant 0 : i32
        %lt3A_259 = arith.cmpi slt, %rem3A_255, %lt3A_258 : i32
        %lt3A_260 = arith.constant 0 : i32
        %lt3A_261 = arith.cmpi slt, %select_n3A_254, %lt3A_260 : i32
        %ne3A_262 = arith.xori %lt3A_259, %lt3A_261 : i1
        %and3A_263 = arith.andi %ne3A_262, %ne3A_257 : i1
        %add3A_264 = arith.addi %rem3A_255, %select_n3A_254 : i32
        %select_n3A_265 = arith.select %and3A_263, %add3A_264, %rem3A_255 : i32
        %mul3A_266 = arith.constant 64 : i32
        %mul3A_267 = arith.muli %select_n3A_265, %mul3A_266 : i32
        %add3A_268 = arith.addi %mul3A_2, %mul3A_267 : i32
        %dma_wait3A_269 = arith.constant 0 : i32
        %dma_wait3A_270 = tpu.memref_slice %arg4[%select_n3A, %add3A_268, %dma_wait3A_269] : memref<50x4096x128xf32, #tpu.memory_space<hbm>> -> memref<1x64x128xf32, #tpu.memory_space<hbm>>
        %dma_wait3A_271 = tpu.memref_squeeze %dma_wait3A_270 : memref<1x64x128xf32, #tpu.memory_space<hbm>> -> memref<64x128xf32, #tpu.memory_space<hbm>>
        %dma_wait3A_272 = arith.constant 0 : i32
        %dma_wait3A_273 = tpu.memref_slice %arg4[%select_n3A, %add3A_268, %dma_wait3A_272] : memref<50x4096x128xf32, #tpu.memory_space<hbm>> -> memref<1x64x128xf32, #tpu.memory_space<hbm>>
        %dma_wait3A_274 = tpu.memref_squeeze %dma_wait3A_273 : memref<1x64x128xf32, #tpu.memory_space<hbm>> -> memref<64x128xf32, #tpu.memory_space<hbm>>
        tpu.wait_dma2 semaphore(%arg21 : memref<!tpu.dma_semaphore, #tpu.memory_space<semaphore_mem>>) src(%arg9 : memref<64x128xf32, #tpu.memory_space<vmem>>) dst(%dma_wait3A_274 : memref<64x128xf32, #tpu.memory_space<hbm>>)
      } else {
      }
      %lt3A_203 = arith.constant 100 : i32
      %lt3A_204 = arith.cmpi slt, %add3A_194, %lt3A_203 : i32
      %convert_element_type3A_205 = arith.extui %lt3A_204 : i1 to i32
      %cond3A_206 = arith.constant 0 : i32
      %cond3A_207 = arith.cmpi ne, %convert_element_type3A_205, %cond3A_206 : i32
      scf.if %cond3A_207 {
        %jit3A = arith.constant 2 : i32
        %div3A = arith.divsi %add3A_194, %jit3A : i32
        %sign3A = arith.constant 0 : i32
        %sign3A_232 = arith.cmpi sgt, %add3A_194, %sign3A : i32
        %sign3A_233 = arith.extui %sign3A_232 : i1 to i32
        %sign3A_234 = arith.constant 0 : i32
        %sign3A_235 = arith.cmpi slt, %add3A_194, %sign3A_234 : i32
        %sign3A_236 = arith.extui %sign3A_235 : i1 to i32
        %sign3A_237 = arith.subi %sign3A_233, %sign3A_236 : i32
        %sign3A_238 = arith.constant 0 : i32
        %sign3A_239 = arith.cmpi sgt, %jit3A, %sign3A_238 : i32
        %sign3A_240 = arith.extui %sign3A_239 : i1 to i32
        %sign3A_241 = arith.constant 0 : i32
        %sign3A_242 = arith.cmpi slt, %jit3A, %sign3A_241 : i32
        %sign3A_243 = arith.extui %sign3A_242 : i1 to i32
        %sign3A_244 = arith.subi %sign3A_240, %sign3A_243 : i32
        %ne3A = arith.cmpi ne, %sign3A_237, %sign3A_244 : i32
        %rem3A = arith.remsi %add3A_194, %jit3A : i32
        %ne3A_245 = arith.constant 0 : i32
        %ne3A_246 = arith.cmpi ne, %rem3A, %ne3A_245 : i32
        %and3A_247 = arith.andi %ne3A, %ne3A_246 : i1
        %sub3A = arith.constant 1 : i32
        %sub3A_248 = arith.subi %div3A, %sub3A : i32
        %select_n3A = arith.select %and3A_247, %sub3A_248, %div3A : i32
        %jit3A_249 = arith.constant 2 : i32
        %eq3A = arith.constant 0 : i32
        %eq3A_250 = arith.cmpi eq, %jit3A_249, %eq3A : i32
        %jit3A_251 = arith.constant 1 : i32
        %select_n3A_252 = arith.select %eq3A_250, %jit3A_251, %jit3A_249 : i32
        %rem3A_253 = arith.remsi %add3A_194, %select_n3A_252 : i32
        %ne3A_254 = arith.constant 0 : i32
        %ne3A_255 = arith.cmpi ne, %rem3A_253, %ne3A_254 : i32
        %lt3A_256 = arith.constant 0 : i32
        %lt3A_257 = arith.cmpi slt, %rem3A_253, %lt3A_256 : i32
        %lt3A_258 = arith.constant 0 : i32
        %lt3A_259 = arith.cmpi slt, %select_n3A_252, %lt3A_258 : i32
        %ne3A_260 = arith.xori %lt3A_257, %lt3A_259 : i1
        %and3A_261 = arith.andi %ne3A_260, %ne3A_255 : i1
        %add3A_262 = arith.addi %rem3A_253, %select_n3A_252 : i32
        %select_n3A_263 = arith.select %and3A_261, %add3A_262, %rem3A_253 : i32
        %mul3A_264 = arith.constant 64 : i32
        %mul3A_265 = arith.muli %select_n3A_263, %mul3A_264 : i32
        %dma_start3A_266 = tpu.memref_slice %arg5[%select_n3A, %mul3A_265] : memref<50x128xi32, #tpu.memory_space<vmem>> -> memref<1x64xi32, #tpu.memory_space<vmem>>
        %dma_start3A_267 = tpu.memref_squeeze %dma_start3A_266 : memref<1x64xi32, #tpu.memory_space<vmem>> -> memref<64xi32, #tpu.memory_space<vmem>>
        %dma_start3A_268 = arith.constant 0 : i32
        %dma_start3A_269 = arith.constant 0 : i32
        %dma_start3A_270 = tpu.memref_slice %arg6[%dma_start3A_268, %dma_start3A_269] : memref<8192x128xf32, #tpu.memory_space<vmem_shared>> -> memref<8192x128xf32, #tpu.memory_space<vmem_shared>>
        tpu.enqueue_indirect_dma source(%dma_start3A_270 : memref<8192x128xf32, #tpu.memory_space<vmem_shared>>) target(%arg9 : memref<64x128xf32, #tpu.memory_space<vmem>>) offsets(%dma_start3A_267 : memref<64xi32, #tpu.memory_space<vmem>>) semaphore(%arg15 : memref<!tpu.dma_semaphore, #tpu.memory_space<semaphore_mem>>)
      } else {
      }
      %mul3A_208 = arith.constant 6 : i32
      %mul3A_209 = arith.muli %scan3A_92, %mul3A_208 : i32
      %add3A_210 = arith.constant 5 : i32
      %add3A_211 = arith.addi %mul3A_209, %add3A_210 : i32
      %lt3A_212 = arith.constant 100 : i32
      %lt3A_213 = arith.cmpi slt, %add3A_211, %lt3A_212 : i32
      %convert_element_type3A_214 = arith.extui %lt3A_213 : i1 to i32
      %cond3A_215 = arith.constant 0 : i32
      %cond3A_216 = arith.cmpi ne, %convert_element_type3A_214, %cond3A_215 : i32
      scf.if %cond3A_216 {
        %jit3A = arith.constant 2 : i32
        %div3A = arith.divsi %add3A_211, %jit3A : i32
        %sign3A = arith.constant 0 : i32
        %sign3A_232 = arith.cmpi sgt, %add3A_211, %sign3A : i32
        %sign3A_233 = arith.extui %sign3A_232 : i1 to i32
        %sign3A_234 = arith.constant 0 : i32
        %sign3A_235 = arith.cmpi slt, %add3A_211, %sign3A_234 : i32
        %sign3A_236 = arith.extui %sign3A_235 : i1 to i32
        %sign3A_237 = arith.subi %sign3A_233, %sign3A_236 : i32
        %sign3A_238 = arith.constant 0 : i32
        %sign3A_239 = arith.cmpi sgt, %jit3A, %sign3A_238 : i32
        %sign3A_240 = arith.extui %sign3A_239 : i1 to i32
        %sign3A_241 = arith.constant 0 : i32
        %sign3A_242 = arith.cmpi slt, %jit3A, %sign3A_241 : i32
        %sign3A_243 = arith.extui %sign3A_242 : i1 to i32
        %sign3A_244 = arith.subi %sign3A_240, %sign3A_243 : i32
        %ne3A = arith.cmpi ne, %sign3A_237, %sign3A_244 : i32
        %rem3A = arith.remsi %add3A_211, %jit3A : i32
        %ne3A_245 = arith.constant 0 : i32
        %ne3A_246 = arith.cmpi ne, %rem3A, %ne3A_245 : i32
        %and3A_247 = arith.andi %ne3A, %ne3A_246 : i1
        %sub3A = arith.constant 1 : i32
        %sub3A_248 = arith.subi %div3A, %sub3A : i32
        %select_n3A = arith.select %and3A_247, %sub3A_248, %div3A : i32
        %jit3A_249 = arith.constant 2 : i32
        %eq3A = arith.constant 0 : i32
        %eq3A_250 = arith.cmpi eq, %jit3A_249, %eq3A : i32
        %jit3A_251 = arith.constant 1 : i32
        %select_n3A_252 = arith.select %eq3A_250, %jit3A_251, %jit3A_249 : i32
        %rem3A_253 = arith.remsi %add3A_211, %select_n3A_252 : i32
        %ne3A_254 = arith.constant 0 : i32
        %ne3A_255 = arith.cmpi ne, %rem3A_253, %ne3A_254 : i32
        %lt3A_256 = arith.constant 0 : i32
        %lt3A_257 = arith.cmpi slt, %rem3A_253, %lt3A_256 : i32
        %lt3A_258 = arith.constant 0 : i32
        %lt3A_259 = arith.cmpi slt, %select_n3A_252, %lt3A_258 : i32
        %ne3A_260 = arith.xori %lt3A_257, %lt3A_259 : i1
        %and3A_261 = arith.andi %ne3A_260, %ne3A_255 : i1
        %add3A_262 = arith.addi %rem3A_253, %select_n3A_252 : i32
        %select_n3A_263 = arith.select %and3A_261, %add3A_262, %rem3A_253 : i32
        %mul3A_264 = arith.constant 64 : i32
        %mul3A_265 = arith.muli %select_n3A_263, %mul3A_264 : i32
        %dma_wait3A_266 = tpu.memref_slice %arg5[%select_n3A, %mul3A_265] : memref<50x128xi32, #tpu.memory_space<vmem>> -> memref<1x64xi32, #tpu.memory_space<vmem>>
        %dma_wait3A_267 = tpu.memref_squeeze %dma_wait3A_266 : memref<1x64xi32, #tpu.memory_space<vmem>> -> memref<64xi32, #tpu.memory_space<vmem>>
        %dma_wait3A_268 = arith.constant 0 : i32
        %dma_wait3A_269 = arith.constant 0 : i32
        %dma_wait3A_270 = tpu.memref_slice %arg6[%dma_wait3A_268, %dma_wait3A_269] : memref<8192x128xf32, #tpu.memory_space<vmem_shared>> -> memref<8192x128xf32, #tpu.memory_space<vmem_shared>>
        tpu.wait_indirect_dma semaphore(%arg18 : memref<!tpu.dma_semaphore, #tpu.memory_space<semaphore_mem>>) src(%dma_wait3A_270 : memref<8192x128xf32, #tpu.memory_space<vmem_shared>>) dst(%arg12 : memref<64x128xf32, #tpu.memory_space<vmem>>)
        %jit3A_271 = arith.constant 2 : i32
        %div3A_272 = arith.divsi %add3A_211, %jit3A_271 : i32
        %sign3A_273 = arith.constant 0 : i32
        %sign3A_274 = arith.cmpi sgt, %add3A_211, %sign3A_273 : i32
        %sign3A_275 = arith.extui %sign3A_274 : i1 to i32
        %sign3A_276 = arith.constant 0 : i32
        %sign3A_277 = arith.cmpi slt, %add3A_211, %sign3A_276 : i32
        %sign3A_278 = arith.extui %sign3A_277 : i1 to i32
        %sign3A_279 = arith.subi %sign3A_275, %sign3A_278 : i32
        %sign3A_280 = arith.constant 0 : i32
        %sign3A_281 = arith.cmpi sgt, %jit3A_271, %sign3A_280 : i32
        %sign3A_282 = arith.extui %sign3A_281 : i1 to i32
        %sign3A_283 = arith.constant 0 : i32
        %sign3A_284 = arith.cmpi slt, %jit3A_271, %sign3A_283 : i32
        %sign3A_285 = arith.extui %sign3A_284 : i1 to i32
        %sign3A_286 = arith.subi %sign3A_282, %sign3A_285 : i32
        %ne3A_287 = arith.cmpi ne, %sign3A_279, %sign3A_286 : i32
        %rem3A_288 = arith.remsi %add3A_211, %jit3A_271 : i32
        %ne3A_289 = arith.constant 0 : i32
        %ne3A_290 = arith.cmpi ne, %rem3A_288, %ne3A_289 : i32
        %and3A_291 = arith.andi %ne3A_287, %ne3A_290 : i1
        %sub3A_292 = arith.constant 1 : i32
        %sub3A_293 = arith.subi %div3A_272, %sub3A_292 : i32
        %select_n3A_294 = arith.select %and3A_291, %sub3A_293, %div3A_272 : i32
        %jit3A_295 = arith.constant 2 : i32
        %eq3A_296 = arith.constant 0 : i32
        %eq3A_297 = arith.cmpi eq, %jit3A_295, %eq3A_296 : i32
        %jit3A_298 = arith.constant 1 : i32
        %select_n3A_299 = arith.select %eq3A_297, %jit3A_298, %jit3A_295 : i32
        %rem3A_300 = arith.remsi %add3A_211, %select_n3A_299 : i32
        %ne3A_301 = arith.constant 0 : i32
        %ne3A_302 = arith.cmpi ne, %rem3A_300, %ne3A_301 : i32
        %lt3A_303 = arith.constant 0 : i32
        %lt3A_304 = arith.cmpi slt, %rem3A_300, %lt3A_303 : i32
        %lt3A_305 = arith.constant 0 : i32
        %lt3A_306 = arith.cmpi slt, %select_n3A_299, %lt3A_305 : i32
        %ne3A_307 = arith.xori %lt3A_304, %lt3A_306 : i1
        %and3A_308 = arith.andi %ne3A_307, %ne3A_302 : i1
        %add3A_309 = arith.addi %rem3A_300, %select_n3A_299 : i32
        %select_n3A_310 = arith.select %and3A_308, %add3A_309, %rem3A_300 : i32
        %mul3A_311 = arith.constant 64 : i32
        %mul3A_312 = arith.muli %select_n3A_310, %mul3A_311 : i32
        %add3A_313 = arith.addi %mul3A_2, %mul3A_312 : i32
        %dma_start3A_314 = arith.constant 0 : i32
        %dma_start3A_315 = tpu.memref_slice %arg4[%select_n3A_294, %add3A_313, %dma_start3A_314] : memref<50x4096x128xf32, #tpu.memory_space<hbm>> -> memref<1x64x128xf32, #tpu.memory_space<hbm>>
        %dma_start3A_316 = tpu.memref_squeeze %dma_start3A_315 : memref<1x64x128xf32, #tpu.memory_space<hbm>> -> memref<64x128xf32, #tpu.memory_space<hbm>>
        %dma_start3A_317 = arith.constant 0 : i32
        %dma_start3A_318 = tpu.memref_slice %arg4[%select_n3A_294, %add3A_313, %dma_start3A_317] : memref<50x4096x128xf32, #tpu.memory_space<hbm>> -> memref<1x64x128xf32, #tpu.memory_space<hbm>>
        %dma_start3A_319 = tpu.memref_squeeze %dma_start3A_318 : memref<1x64x128xf32, #tpu.memory_space<hbm>> -> memref<64x128xf32, #tpu.memory_space<hbm>>
        tpu.enqueue_dma source(%arg12 : memref<64x128xf32, #tpu.memory_space<vmem>>) target(%dma_start3A_319 : memref<64x128xf32, #tpu.memory_space<hbm>>) target_semaphore(%arg24 : memref<!tpu.dma_semaphore, #tpu.memory_space<semaphore_mem>>)
      } else {
      }
      %add3A_217 = arith.constant 4 : i32
      %add3A_218 = arith.addi %add3A_211, %add3A_217 : i32
      %ge3A_219 = arith.constant 6 : i32
      %ge3A_220 = arith.cmpi sge, %add3A_218, %ge3A_219 : i32
      %lt3A_221 = arith.constant 100 : i32
      %lt3A_222 = arith.cmpi slt, %add3A_218, %lt3A_221 : i32
      %and3A_223 = arith.andi %ge3A_220, %lt3A_222 : i1
      %convert_element_type3A_224 = arith.extui %and3A_223 : i1 to i32
      %cond3A_225 = arith.constant 0 : i32
      %cond3A_226 = arith.cmpi ne, %convert_element_type3A_224, %cond3A_225 : i32
      scf.if %cond3A_226 {
        %sub3A = arith.constant 6 : i32
        %sub3A_232 = arith.subi %add3A_218, %sub3A : i32
        %jit3A = arith.constant 2 : i32
        %div3A = arith.divsi %sub3A_232, %jit3A : i32
        %sign3A = arith.constant 0 : i32
        %sign3A_233 = arith.cmpi sgt, %sub3A_232, %sign3A : i32
        %sign3A_234 = arith.extui %sign3A_233 : i1 to i32
        %sign3A_235 = arith.constant 0 : i32
        %sign3A_236 = arith.cmpi slt, %sub3A_232, %sign3A_235 : i32
        %sign3A_237 = arith.extui %sign3A_236 : i1 to i32
        %sign3A_238 = arith.subi %sign3A_234, %sign3A_237 : i32
        %sign3A_239 = arith.constant 0 : i32
        %sign3A_240 = arith.cmpi sgt, %jit3A, %sign3A_239 : i32
        %sign3A_241 = arith.extui %sign3A_240 : i1 to i32
        %sign3A_242 = arith.constant 0 : i32
        %sign3A_243 = arith.cmpi slt, %jit3A, %sign3A_242 : i32
        %sign3A_244 = arith.extui %sign3A_243 : i1 to i32
        %sign3A_245 = arith.subi %sign3A_241, %sign3A_244 : i32
        %ne3A = arith.cmpi ne, %sign3A_238, %sign3A_245 : i32
        %rem3A = arith.remsi %sub3A_232, %jit3A : i32
        %ne3A_246 = arith.constant 0 : i32
        %ne3A_247 = arith.cmpi ne, %rem3A, %ne3A_246 : i32
        %and3A_248 = arith.andi %ne3A, %ne3A_247 : i1
        %sub3A_249 = arith.constant 1 : i32
        %sub3A_250 = arith.subi %div3A, %sub3A_249 : i32
        %select_n3A = arith.select %and3A_248, %sub3A_250, %div3A : i32
        %jit3A_251 = arith.constant 2 : i32
        %eq3A = arith.constant 0 : i32
        %eq3A_252 = arith.cmpi eq, %jit3A_251, %eq3A : i32
        %jit3A_253 = arith.constant 1 : i32
        %select_n3A_254 = arith.select %eq3A_252, %jit3A_253, %jit3A_251 : i32
        %rem3A_255 = arith.remsi %sub3A_232, %select_n3A_254 : i32
        %ne3A_256 = arith.constant 0 : i32
        %ne3A_257 = arith.cmpi ne, %rem3A_255, %ne3A_256 : i32
        %lt3A_258 = arith.constant 0 : i32
        %lt3A_259 = arith.cmpi slt, %rem3A_255, %lt3A_258 : i32
        %lt3A_260 = arith.constant 0 : i32
        %lt3A_261 = arith.cmpi slt, %select_n3A_254, %lt3A_260 : i32
        %ne3A_262 = arith.xori %lt3A_259, %lt3A_261 : i1
        %and3A_263 = arith.andi %ne3A_262, %ne3A_257 : i1
        %add3A_264 = arith.addi %rem3A_255, %select_n3A_254 : i32
        %select_n3A_265 = arith.select %and3A_263, %add3A_264, %rem3A_255 : i32
        %mul3A_266 = arith.constant 64 : i32
        %mul3A_267 = arith.muli %select_n3A_265, %mul3A_266 : i32
        %add3A_268 = arith.addi %mul3A_2, %mul3A_267 : i32
        %dma_wait3A_269 = arith.constant 0 : i32
        %dma_wait3A_270 = tpu.memref_slice %arg4[%select_n3A, %add3A_268, %dma_wait3A_269] : memref<50x4096x128xf32, #tpu.memory_space<hbm>> -> memref<1x64x128xf32, #tpu.memory_space<hbm>>
        %dma_wait3A_271 = tpu.memref_squeeze %dma_wait3A_270 : memref<1x64x128xf32, #tpu.memory_space<hbm>> -> memref<64x128xf32, #tpu.memory_space<hbm>>
        %dma_wait3A_272 = arith.constant 0 : i32
        %dma_wait3A_273 = tpu.memref_slice %arg4[%select_n3A, %add3A_268, %dma_wait3A_272] : memref<50x4096x128xf32, #tpu.memory_space<hbm>> -> memref<1x64x128xf32, #tpu.memory_space<hbm>>
        %dma_wait3A_274 = tpu.memref_squeeze %dma_wait3A_273 : memref<1x64x128xf32, #tpu.memory_space<hbm>> -> memref<64x128xf32, #tpu.memory_space<hbm>>
        tpu.wait_dma2 semaphore(%arg22 : memref<!tpu.dma_semaphore, #tpu.memory_space<semaphore_mem>>) src(%arg10 : memref<64x128xf32, #tpu.memory_space<vmem>>) dst(%dma_wait3A_274 : memref<64x128xf32, #tpu.memory_space<hbm>>)
      } else {
      }
      %lt3A_227 = arith.constant 100 : i32
      %lt3A_228 = arith.cmpi slt, %add3A_218, %lt3A_227 : i32
      %convert_element_type3A_229 = arith.extui %lt3A_228 : i1 to i32
      %cond3A_230 = arith.constant 0 : i32
      %cond3A_231 = arith.cmpi ne, %convert_element_type3A_229, %cond3A_230 : i32
      scf.if %cond3A_231 {
        %jit3A = arith.constant 2 : i32
        %div3A = arith.divsi %add3A_218, %jit3A : i32
        %sign3A = arith.constant 0 : i32
        %sign3A_232 = arith.cmpi sgt, %add3A_218, %sign3A : i32
        %sign3A_233 = arith.extui %sign3A_232 : i1 to i32
        %sign3A_234 = arith.constant 0 : i32
        %sign3A_235 = arith.cmpi slt, %add3A_218, %sign3A_234 : i32
        %sign3A_236 = arith.extui %sign3A_235 : i1 to i32
        %sign3A_237 = arith.subi %sign3A_233, %sign3A_236 : i32
        %sign3A_238 = arith.constant 0 : i32
        %sign3A_239 = arith.cmpi sgt, %jit3A, %sign3A_238 : i32
        %sign3A_240 = arith.extui %sign3A_239 : i1 to i32
        %sign3A_241 = arith.constant 0 : i32
        %sign3A_242 = arith.cmpi slt, %jit3A, %sign3A_241 : i32
        %sign3A_243 = arith.extui %sign3A_242 : i1 to i32
        %sign3A_244 = arith.subi %sign3A_240, %sign3A_243 : i32
        %ne3A = arith.cmpi ne, %sign3A_237, %sign3A_244 : i32
        %rem3A = arith.remsi %add3A_218, %jit3A : i32
        %ne3A_245 = arith.constant 0 : i32
        %ne3A_246 = arith.cmpi ne, %rem3A, %ne3A_245 : i32
        %and3A_247 = arith.andi %ne3A, %ne3A_246 : i1
        %sub3A = arith.constant 1 : i32
        %sub3A_248 = arith.subi %div3A, %sub3A : i32
        %select_n3A = arith.select %and3A_247, %sub3A_248, %div3A : i32
        %jit3A_249 = arith.constant 2 : i32
        %eq3A = arith.constant 0 : i32
        %eq3A_250 = arith.cmpi eq, %jit3A_249, %eq3A : i32
        %jit3A_251 = arith.constant 1 : i32
        %select_n3A_252 = arith.select %eq3A_250, %jit3A_251, %jit3A_249 : i32
        %rem3A_253 = arith.remsi %add3A_218, %select_n3A_252 : i32
        %ne3A_254 = arith.constant 0 : i32
        %ne3A_255 = arith.cmpi ne, %rem3A_253, %ne3A_254 : i32
        %lt3A_256 = arith.constant 0 : i32
        %lt3A_257 = arith.cmpi slt, %rem3A_253, %lt3A_256 : i32
        %lt3A_258 = arith.constant 0 : i32
        %lt3A_259 = arith.cmpi slt, %select_n3A_252, %lt3A_258 : i32
        %ne3A_260 = arith.xori %lt3A_257, %lt3A_259 : i1
        %and3A_261 = arith.andi %ne3A_260, %ne3A_255 : i1
        %add3A_262 = arith.addi %rem3A_253, %select_n3A_252 : i32
        %select_n3A_263 = arith.select %and3A_261, %add3A_262, %rem3A_253 : i32
        %mul3A_264 = arith.constant 64 : i32
        %mul3A_265 = arith.muli %select_n3A_263, %mul3A_264 : i32
        %dma_start3A_266 = tpu.memref_slice %arg5[%select_n3A, %mul3A_265] : memref<50x128xi32, #tpu.memory_space<vmem>> -> memref<1x64xi32, #tpu.memory_space<vmem>>
        %dma_start3A_267 = tpu.memref_squeeze %dma_start3A_266 : memref<1x64xi32, #tpu.memory_space<vmem>> -> memref<64xi32, #tpu.memory_space<vmem>>
        %dma_start3A_268 = arith.constant 0 : i32
        %dma_start3A_269 = arith.constant 0 : i32
        %dma_start3A_270 = tpu.memref_slice %arg6[%dma_start3A_268, %dma_start3A_269] : memref<8192x128xf32, #tpu.memory_space<vmem_shared>> -> memref<8192x128xf32, #tpu.memory_space<vmem_shared>>
        tpu.enqueue_indirect_dma source(%dma_start3A_270 : memref<8192x128xf32, #tpu.memory_space<vmem_shared>>) target(%arg10 : memref<64x128xf32, #tpu.memory_space<vmem>>) offsets(%dma_start3A_267 : memref<64xi32, #tpu.memory_space<vmem>>) semaphore(%arg16 : memref<!tpu.dma_semaphore, #tpu.memory_space<semaphore_mem>>)
      } else {
      }
    }
    %scan3A_38 = arith.constant 17 : i32
    %add3A_39 = arith.constant 0 : i32
    %add3A_40 = arith.addi %mul3A_2, %add3A_39 : i32
    %dma_wait3A = arith.constant 47 : i32
    %dma_wait3A_41 = arith.constant 0 : i32
    %dma_wait3A_42 = tpu.memref_slice %arg4[%dma_wait3A, %add3A_40, %dma_wait3A_41] : memref<50x4096x128xf32, #tpu.memory_space<hbm>> -> memref<1x64x128xf32, #tpu.memory_space<hbm>>
    %dma_wait3A_43 = tpu.memref_squeeze %dma_wait3A_42 : memref<1x64x128xf32, #tpu.memory_space<hbm>> -> memref<64x128xf32, #tpu.memory_space<hbm>>
    %dma_wait3A_44 = arith.constant 0 : i32
    %dma_wait3A_45 = tpu.memref_slice %arg4[%dma_wait3A, %add3A_40, %dma_wait3A_44] : memref<50x4096x128xf32, #tpu.memory_space<hbm>> -> memref<1x64x128xf32, #tpu.memory_space<hbm>>
    %dma_wait3A_46 = tpu.memref_squeeze %dma_wait3A_45 : memref<1x64x128xf32, #tpu.memory_space<hbm>> -> memref<64x128xf32, #tpu.memory_space<hbm>>
    tpu.wait_dma2 semaphore(%arg23 : memref<!tpu.dma_semaphore, #tpu.memory_space<semaphore_mem>>) src(%arg11 : memref<64x128xf32, #tpu.memory_space<vmem>>) dst(%dma_wait3A_46 : memref<64x128xf32, #tpu.memory_space<hbm>>)
    %add3A_47 = arith.constant 64 : i32
    %add3A_48 = arith.addi %mul3A_2, %add3A_47 : i32
    %dma_wait3A_49 = arith.constant 47 : i32
    %dma_wait3A_50 = arith.constant 0 : i32
    %dma_wait3A_51 = tpu.memref_slice %arg4[%dma_wait3A_49, %add3A_48, %dma_wait3A_50] : memref<50x4096x128xf32, #tpu.memory_space<hbm>> -> memref<1x64x128xf32, #tpu.memory_space<hbm>>
    %dma_wait3A_52 = tpu.memref_squeeze %dma_wait3A_51 : memref<1x64x128xf32, #tpu.memory_space<hbm>> -> memref<64x128xf32, #tpu.memory_space<hbm>>
    %dma_wait3A_53 = arith.constant 0 : i32
    %dma_wait3A_54 = tpu.memref_slice %arg4[%dma_wait3A_49, %add3A_48, %dma_wait3A_53] : memref<50x4096x128xf32, #tpu.memory_space<hbm>> -> memref<1x64x128xf32, #tpu.memory_space<hbm>>
    %dma_wait3A_55 = tpu.memref_squeeze %dma_wait3A_54 : memref<1x64x128xf32, #tpu.memory_space<hbm>> -> memref<64x128xf32, #tpu.memory_space<hbm>>
    tpu.wait_dma2 semaphore(%arg24 : memref<!tpu.dma_semaphore, #tpu.memory_space<semaphore_mem>>) src(%arg12 : memref<64x128xf32, #tpu.memory_space<vmem>>) dst(%dma_wait3A_55 : memref<64x128xf32, #tpu.memory_space<hbm>>)
    %add3A_56 = arith.constant 0 : i32
    %add3A_57 = arith.addi %mul3A_2, %add3A_56 : i32
    %dma_wait3A_58 = arith.constant 48 : i32
    %dma_wait3A_59 = arith.constant 0 : i32
    %dma_wait3A_60 = tpu.memref_slice %arg4[%dma_wait3A_58, %add3A_57, %dma_wait3A_59] : memref<50x4096x128xf32, #tpu.memory_space<hbm>> -> memref<1x64x128xf32, #tpu.memory_space<hbm>>
    %dma_wait3A_61 = tpu.memref_squeeze %dma_wait3A_60 : memref<1x64x128xf32, #tpu.memory_space<hbm>> -> memref<64x128xf32, #tpu.memory_space<hbm>>
    %dma_wait3A_62 = arith.constant 0 : i32
    %dma_wait3A_63 = tpu.memref_slice %arg4[%dma_wait3A_58, %add3A_57, %dma_wait3A_62] : memref<50x4096x128xf32, #tpu.memory_space<hbm>> -> memref<1x64x128xf32, #tpu.memory_space<hbm>>
    %dma_wait3A_64 = tpu.memref_squeeze %dma_wait3A_63 : memref<1x64x128xf32, #tpu.memory_space<hbm>> -> memref<64x128xf32, #tpu.memory_space<hbm>>
    tpu.wait_dma2 semaphore(%arg19 : memref<!tpu.dma_semaphore, #tpu.memory_space<semaphore_mem>>) src(%arg7 : memref<64x128xf32, #tpu.memory_space<vmem>>) dst(%dma_wait3A_64 : memref<64x128xf32, #tpu.memory_space<hbm>>)
    %add3A_65 = arith.constant 64 : i32
    %add3A_66 = arith.addi %mul3A_2, %add3A_65 : i32
    %dma_wait3A_67 = arith.constant 48 : i32
    %dma_wait3A_68 = arith.constant 0 : i32
    %dma_wait3A_69 = tpu.memref_slice %arg4[%dma_wait3A_67, %add3A_66, %dma_wait3A_68] : memref<50x4096x128xf32, #tpu.memory_space<hbm>> -> memref<1x64x128xf32, #tpu.memory_space<hbm>>
    %dma_wait3A_70 = tpu.memref_squeeze %dma_wait3A_69 : memref<1x64x128xf32, #tpu.memory_space<hbm>> -> memref<64x128xf32, #tpu.memory_space<hbm>>
    %dma_wait3A_71 = arith.constant 0 : i32
    %dma_wait3A_72 = tpu.memref_slice %arg4[%dma_wait3A_67, %add3A_66, %dma_wait3A_71] : memref<50x4096x128xf32, #tpu.memory_space<hbm>> -> memref<1x64x128xf32, #tpu.memory_space<hbm>>
    %dma_wait3A_73 = tpu.memref_squeeze %dma_wait3A_72 : memref<1x64x128xf32, #tpu.memory_space<hbm>> -> memref<64x128xf32, #tpu.memory_space<hbm>>
    tpu.wait_dma2 semaphore(%arg20 : memref<!tpu.dma_semaphore, #tpu.memory_space<semaphore_mem>>) src(%arg8 : memref<64x128xf32, #tpu.memory_space<vmem>>) dst(%dma_wait3A_73 : memref<64x128xf32, #tpu.memory_space<hbm>>)
    %add3A_74 = arith.constant 0 : i32
    %add3A_75 = arith.addi %mul3A_2, %add3A_74 : i32
    %dma_wait3A_76 = arith.constant 49 : i32
    %dma_wait3A_77 = arith.constant 0 : i32
    %dma_wait3A_78 = tpu.memref_slice %arg4[%dma_wait3A_76, %add3A_75, %dma_wait3A_77] : memref<50x4096x128xf32, #tpu.memory_space<hbm>> -> memref<1x64x128xf32, #tpu.memory_space<hbm>>
    %dma_wait3A_79 = tpu.memref_squeeze %dma_wait3A_78 : memref<1x64x128xf32, #tpu.memory_space<hbm>> -> memref<64x128xf32, #tpu.memory_space<hbm>>
    %dma_wait3A_80 = arith.constant 0 : i32
    %dma_wait3A_81 = tpu.memref_slice %arg4[%dma_wait3A_76, %add3A_75, %dma_wait3A_80] : memref<50x4096x128xf32, #tpu.memory_space<hbm>> -> memref<1x64x128xf32, #tpu.memory_space<hbm>>
    %dma_wait3A_82 = tpu.memref_squeeze %dma_wait3A_81 : memref<1x64x128xf32, #tpu.memory_space<hbm>> -> memref<64x128xf32, #tpu.memory_space<hbm>>
    tpu.wait_dma2 semaphore(%arg21 : memref<!tpu.dma_semaphore, #tpu.memory_space<semaphore_mem>>) src(%arg9 : memref<64x128xf32, #tpu.memory_space<vmem>>) dst(%dma_wait3A_82 : memref<64x128xf32, #tpu.memory_space<hbm>>)
    %add3A_83 = arith.constant 64 : i32
    %add3A_84 = arith.addi %mul3A_2, %add3A_83 : i32
    %dma_wait3A_85 = arith.constant 49 : i32
    %dma_wait3A_86 = arith.constant 0 : i32
    %dma_wait3A_87 = tpu.memref_slice %arg4[%dma_wait3A_85, %add3A_84, %dma_wait3A_86] : memref<50x4096x128xf32, #tpu.memory_space<hbm>> -> memref<1x64x128xf32, #tpu.memory_space<hbm>>
    %dma_wait3A_88 = tpu.memref_squeeze %dma_wait3A_87 : memref<1x64x128xf32, #tpu.memory_space<hbm>> -> memref<64x128xf32, #tpu.memory_space<hbm>>
    %dma_wait3A_89 = arith.constant 0 : i32
    %dma_wait3A_90 = tpu.memref_slice %arg4[%dma_wait3A_85, %add3A_84, %dma_wait3A_89] : memref<50x4096x128xf32, #tpu.memory_space<hbm>> -> memref<1x64x128xf32, #tpu.memory_space<hbm>>
    %dma_wait3A_91 = tpu.memref_squeeze %dma_wait3A_90 : memref<1x64x128xf32, #tpu.memory_space<hbm>> -> memref<64x128xf32, #tpu.memory_space<hbm>>
    tpu.wait_dma2 semaphore(%arg22 : memref<!tpu.dma_semaphore, #tpu.memory_space<semaphore_mem>>) src(%arg10 : memref<64x128xf32, #tpu.memory_space<vmem>>) dst(%dma_wait3A_91 : memref<64x128xf32, #tpu.memory_space<hbm>>)
    return
  }
}

</mosaic_0001>

<sc_bundles>
// kernel: kernel.3.cloned.1.call-start
scs
__scs_entry_jumppad:
0x0: {  	(pc) =	sbr.rel $0x88, $3  }
0x1: {  	(tag) =	ssettag $0x0;
	lr =	simm.s32 $0x1  }
0x2: {  	[smem:$0x3F9F] =	sst lr;
	_ =	strace $0xD0000000  }
0x3: {  	_ = 	snop  }
0x4: {  	_ = 	snop  }
0x5: {  	_ = 	snop  }
0x6: {  	_ = 	snop  }
0x7: {  	_ = 	snop  }
__scs_overlays_trampoline_lowered:
0x8: {  	[smem:$0x3FAE] =	sst s0  }
0x9: {  	[smem:$0x3FAF] =	sst s1  }
0xa: {  	[smem:$0x3FB0] =	sst s2  }
0xb: {  	[smem:$0x3FB1] =	sst s3  }
0xc: {  	[smem:$0x3FB2] =	sst s4  }
0xd: {  	[smem:$0x3FB3] =	sst s5  }
0xe: {  	[smem:$0x3FB4] =	sst s6  }
0xf: {  	[smem:$0x3FB5] =	sst s7  }
0x10: {  	[smem:$0x3FB6] =	sst s8  }
0x11: {  	[smem:$0x3FB7] =	sst s9;
	s0 =	simm.s32 @!p0 $0x0  }
0x12: {  	s1 =	sld [smem:$0x3F9D];
	s0 =	simm.s32 @p0 $0x1  }
0x13: {  	[smem:$0x3FB8] =	sst s0;
	s0 =	simm.s32 @!p1 $0x0  }
0x14: {  	s2 =	sld [smem:$0x3F9C];
	s0 =	simm.s32 @p1 $0x1  }
0x15: {  	[smem:$0x3FB9] =	sst s0;
	s0 =	simm.s32 @!p2 $0x0  }
0x16: {  	s3 =	sld [smem:$0x3FDB];
	s0 =	simm.s32 @p2 $0x1  }
0x17: {  	s4 =	simm.s32 $0x1BF5;
	[smem:$0x3FBB] =	sst s0  }
0x18: {  	s0 =	sld [smem:$0x3F9E];
	_ =	swait.ge [sflag:s4], $0x0  }
0x19: {  	s7 =	sld [smem:$0x3F9F]  }
0x1a: {  	s8 =	sadd.s32 $0xFFFFE003, lr  }
0x1b: {  	s9 =	sadd.s32 $0xFFFFFEF7, lr;
	s5 =	simm.s32 $0xFFFFFFFF;
	p2 =	slt.u32 s8, $0xFFFFF086  }
0x1c: {  	p1 =	slt.u32 s9, $0xF7A;
	s5 =	simm.s32 @!p2 $0x0  }
0x1d: {  	s5 =	simm.s32 @p1 $0x1;
	p0 =	seq.s32 s7, s2  }
0x1e: {  	s7 =	smul.u32 @!p0 $0xF7A, s2;
	p2 =	seq.s32 @!p0 s5, $0x0  }
0x1f: {  	s9 =	smul.u32 $0xF7A, s1;
	s8 =	simm.s32 @!p0 $0x1BF5;
	p2 =	por !p2, p0  }
0x20: {  	[sflag:s8] =	ssyncset.s32 @!p0 $0xFFFFF086;
	s6 =	sadd.s32 @!p0 s3, s7;
	s7 =	simm.s32 @!p0 $0x108  }
0x21: {  	s3 =	sadd.s32 s3, s9;
	s6 =	sadd.s32 @!p0 $0x88, s6;
	s7 =	simm.s32 @p2 $0x1082  }
0x22: {  	[simem:s7], [sflag:s8] =	dma.local @!p0 [hbm:s6], $0xF7A  }
0x23: {  	s9 =	sor.u32 $0xD0000000, s2;
	s6 =	simm.s32 $0x108;
	_ =	swait.ge @!p0 [sflag:s8], $0x0  }
0x24: {  	s3 =	sadd.s32 $0x88, s3;
	s6 =	simm.s32 @!p1 $0x1082;
	[sflag:s4] =	ssyncset.s32 $0xFFFFF086  }
0x25: {  	[simem:s6], [sflag:s4] =	dma.local [hbm:s3], $0xF7A  }
0x26: {  	[smem:$0x3F9F] =	sst s1;
	(tag) =	ssettag s2;
	_ =	strace s9  }
0x27: {  	s1 =	sld [smem:$0x3FAF]  }
0x28: {  	s2 =	sld [smem:$0x3FB0]  }
0x29: {  	s4 =	sld [smem:$0x3FB2]  }
0x2a: {  	p0 =	seq.s32 s5, $0x0;
	s5 =	sld [smem:$0x3FB3]  }
0x2b: {  	s6 =	sld [smem:$0x3FB4]  }
0x2c: {  	s7 =	sld [smem:$0x3FB5]  }
0x2d: {  	s3 =	simm.s32 $0x108;
	s8 =	sld [smem:$0x3FB6]  }
0x2e: {  	s3 =	simm.s32 @!p0 $0x1082;
	s9 =	sld [smem:$0x3FB7]  }
0x2f: {  	lr =	sadd.s32 s0, s3;
	s0 =	sld [smem:$0x3FAE]  }
0x30: {  	s3 =	sld [smem:$0x3FB1]  }
0x31: {  	[smem:$0x3FBA] =	sst s10  }
0x32: {  	s10 =	sld [smem:$0x3FB8];
	_ =	sdelay $0x3  }
0x33: {  	p0 =	seq.s32 s10, $0x1;
	s10 =	sld [smem:$0x3FBA];
	_ =	sdelay $0x3  }
0x34: {  	[smem:$0x3FBA] =	sst s10  }
0x35: {  	s10 =	sld [smem:$0x3FB9];
	_ =	sdelay $0x3  }
0x36: {  	p1 =	seq.s32 s10, $0x1;
	s10 =	sld [smem:$0x3FBA];
	_ =	sdelay $0x3  }
0x37: {  	[smem:$0x3FBA] =	sst s10  }
0x38: {  	s10 =	sld [smem:$0x3FBB]  }
0x39: {  	_ = 	snop;
	(pc) =	sbr.ind lr, $3  }
0x3a: {  	_ = 	snop  }
0x3b: {  	_ = 	snop  }
0x3c: {  	p2 =	seq.s32 s10, $0x1;
	s10 =	sld [smem:$0x3FBA]  }
0x3d: {  	_ =	shalt  }
0x3e: {  	_ =	shalt  }
0x3f: {  	_ =	shalt  }
0x40: {  	_ =	shalt  }
0x41: {  	_ =	shalt  }
0x42: {  	_ =	shalt  }
0x43: {  	_ =	shalt  }
0x44: {  	_ =	shalt  }
0x45: {  	_ =	shalt  }
0x46: {  	_ =	shalt  }
0x47: {  	_ =	shalt  }
0x48: {  	_ =	shalt  }
0x49: {  	_ =	shalt  }
0x4a: {  	_ =	shalt  }
0x4b: {  	_ =	shalt  }
0x4c: {  	_ =	shalt  }
0x4d: {  	_ =	shalt  }
0x4e: {  	_ =	shalt  }
0x4f: {  	_ =	shalt  }
0x50: {  	_ =	shalt  }
0x51: {  	_ =	shalt  }
0x52: {  	_ =	shalt  }
0x53: {  	_ =	shalt  }
0x54: {  	_ =	shalt  }
0x55: {  	_ =	shalt  }
0x56: {  	_ =	shalt  }
0x57: {  	_ =	shalt  }
0x58: {  	_ =	shalt  }
0x59: {  	_ =	shalt  }
0x5a: {  	_ =	shalt  }
0x5b: {  	_ =	shalt  }
0x5c: {  	_ =	shalt  }
0x5d: {  	_ =	shalt  }
0x5e: {  	_ =	shalt  }
0x5f: {  	_ =	shalt  }
0x60: {  	_ =	shalt  }
0x61: {  	_ =	shalt  }
0x62: {  	_ =	shalt  }
0x63: {  	_ =	shalt  }
0x64: {  	_ =	shalt  }
0x65: {  	_ =	shalt  }
0x66: {  	_ =	shalt  }
0x67: {  	_ =	shalt  }
0x68: {  	_ =	shalt  }
0x69: {  	_ =	shalt  }
0x6a: {  	_ =	shalt  }
0x6b: {  	_ =	shalt  }
0x6c: {  	_ =	shalt  }
0x6d: {  	_ =	shalt  }
0x6e: {  	_ =	shalt  }
0x6f: {  	_ =	shalt  }
0x70: {  	_ =	shalt  }
0x71: {  	_ =	shalt  }
0x72: {  	_ =	shalt  }
0x73: {  	_ =	shalt  }
0x74: {  	_ =	shalt  }
0x75: {  	_ =	shalt  }
0x76: {  	_ =	shalt  }
0x77: {  	_ =	shalt  }
0x78: {  	_ =	shalt  }
0x79: {  	_ =	shalt  }
0x7a: {  	_ =	shalt  }
0x7b: {  	_ =	shalt  }
0x7c: {  	_ =	shalt  }
0x7d: {  	_ =	shalt  }
0x7e: {  	_ =	shalt  }
0x7f: {  	_ =	shalt  }
0x80: {  	_ =	shalt  }
0x81: {  	_ =	shalt  }
0x82: {  	_ =	shalt  }
0x83: {  	_ =	shalt  }
0x84: {  	_ =	shalt  }
0x85: {  	_ =	shalt  }
0x86: {  	_ =	shalt  }
0x87: {  	_ =	shalt  }
.Lfunc_end0:
.L_simem_size_0:
called_computation_lowered:
.L_overlay_start_0:
0x88: {  	s2 =	sld [smem:$0x3FD9]  }
0x89: {  	s3 =	sld [smem:$0x3FFE];
	_ =	sdelay $0x1  }
0x8a: {  	s1 =	srdreg.scid  }
0x8b: {  	s0 =	sand.u32 $0x1, s1  }
0x8c: {  	s17 =	sshll.u32 s0, $0xA;
	s2 =	sadd.s32 s3, s2  }
0x8d: {  	s2 =	sadd.s32 s2, s17  }
0x8e: {  	[smem:$0x3FC6] =	sst s2  }
0x8f: {  	_ = 	snop  }
0x90: {  	s2 =	sld [smem:$0x3FC8]  }
0x91: {  	s18 =	sld [smem:$0x3FD0];
	(tm) =	ssettm $0x1  }
0x92: {  	s4 =	sld [smem:$0x3FFB];
	_ =	sdelay $0x3  }
0x93: {  	_ =	strace s4  }
0x94: {  	s4 =	sld [smem:$0x3FFC];
	_ =	sdelay $0x3  }
0x95: {  	_ =	strace s4  }
0x96: {  	s4 =	sld [smem:$0x3FFD];
	_ =	sdelay $0x3  }
0x97: {  	_ =	strace s4  }
0x98: {  	_ =	strace $0x8FFFFFFF  }
0x99: {  	s19 =	sld [smem:$0x3FDB];
	_ =	sdelay $0x1  }
0x9a: {  	s5 =	simm.s32 $_scs_section_size  }
0x9b: {  	s6 =	simm.s32 $_size__tile_overlayer_lowered;
	s7 =	simm.s32 $_tile_overlayer_lowered  }
0x9c: {  	s22 =	simm.s32 $0x1BFF;
	s21 =	sshll.u32 s7, $0x1;
	s4 =	sadd.s32 s5, s19  }
0x9d: {  	s8 =	simm.s32 $0x0;
	s20 =	sshll.u32 s6, $0x1;
	s6 =	sadd.s32 s21, s4  }
0x9e: {  	[timem:s8], [sflag:s22] =	dma.local [hbm:s6], s20  }
0x9f: {  	_ =	swait.ge [sflag:s22], s20  }
0xa0: {  	s5 =	ssub.s32 $0x0, s20;
	[sflag:s22] =	ssyncset.done $0x0  }
0xa1: {  	[sflag:s22] =	ssyncadd.s32 s5;
	_ =	sdelay $0x1  }
0xa2: {  	s23 =	simm.s32 $0x1B8B  }
0xa3: {  	_ =	swait.ge [sflag:s23], $0x1  }
0xa4: {  	[sflag:s23] =	ssyncset.done $0x0  }
0xa5: {  	s25 =	simm.s32 $0x1B8E;
	s24 =	sld [smem:$0x3FFE];
	[sflag:s23] =	ssyncadd.s32 $0xFFFFFFFF  }
0xa6: {  	s26 =	simm.s32 $execute0_lowered;
	[smem:$0x3FD2] =	sst s25  }
0xa7: {  	s6 =	sshll.u32 s26, $0x1;
	_ =	strace $0x80000046;
	[dreg:$0x1] =	wrdreg $0xFFFFFFFF  }
0xa8: {  	s28 =	simm.s32 $_size_execute0_lowered;
	s4 =	sadd.s32 s4, s6;
	[dreg:$0x0] =	wrdreg $0x0  }
0xa9: {  	s6 =	sshll.u32 s28, $0x1;
	[dreg:$0x2] =	wrdreg s4  }
0xaa: {  	[dreg:$0x3] =	wrdreg s6  }
0xab: {  	[dreg:$0x4] =	wrdreg $0xC0  }
0xac: {  	_ =	task [dreg:s8], $0x5FFFF  }
0xad: {  	[dreg:$0x1] =	wrdreg $0xFFFFFFFF  }
0xae: {  	[dreg:$0x0] =	wrdreg $0x60  }
0xaf: {  	[dreg:$0x2] =	wrdreg s24  }
0xb0: {  	[dreg:$0x3] =	wrdreg s2  }
0xb1: {  	[dreg:$0x4] =	wrdreg s18  }
0xb2: {  	[dreg:$0x5] =	wrdreg $0x1C000  }
0xb3: {  	[dreg:$0x6] =	wrdreg $0x9  }
0xb4: {  	_ =	task.clear_ibuf [dreg:s8], $0x7FFFF;
	_ =	strace $0x90000046  }
0xb5: {  	s29 =	simm.s32 $0x9;
	_ =	strace $0x80000048  }
0xb6: {  	_ =	swait.ge [sflag:s29], $0x1  }
0xb7: {  	[sflag:s29] =	ssyncadd.s32 $0xFFFFFFFF  }
0xb8: {  	_ =	strace $0x90000048  }
0xb9: {  	_ =	sfence  }
0xba: {  	s30 =	sld [smem:$0x0];
	_ =	sdelay $0x2  }
0xbb: {  	s31 =	sshll.u32 s1, $0xD;
	s1 =	sshrl.u32 s1, $0x2  }
0xbc: {  	s3 =	sand.u32 $0x4000, s31;
	s1 =	sadd.s32 s1, s30  }
0xbd: {  	s0 =	sor.u32 s3, s0;
	s1 =	sshll.u32 s1, $0x11  }
0xbe: {  	s0 =	sor.u32 s1, s0  }
0xbf: {  	s0 =	sadd.s32 $0x8F2B, s0  }
0xc0: {  	[sflag:s0] =	ssyncadd.remote.s32 $0x1  }
0xc1: {  	_ =	sfence.sel $0xFFFF  }
0xc2: {  	[dreg:$0x0] =	wrdreg $0xFFFFFFFF;
	(pc) =	sbr.abs _section_cstart, $3  }
0xc3: {  	[dreg:$0x1] =	wrdreg $0xFFFFFFFF  }
0xc4: {  	_ =	task.clear_ibuf [dreg:s8], $0x2FFFF;
	_ =	strace $0x9FFFFFFF  }
0xc5: {  	(tm) =	ssettm $0x7FFFFFFF  }
tec
execute0_lowered:
.L_overlay_start_1:
0x0: {  	(tag) =	ssettag $0x1  }
0x1: {  	s0 =	rddreg [dreg:$0x0]  }
0x2: {  	s1 =	rddreg [dreg:$0x1];
	s2 =	srdreg.scid  }
0x3: {  	s12 =	stileid.u32;
	s3 =	rddreg [dreg:$0x3];
	s4 =	simm.s32 $0x0  }
0x4: {  	s28 =	simm.s32 $0x4;
	s31 =	simm.s32 $0x7;
	s2 =	sand.u32 $0x1, s2  }
0x5: {  	s5 =	sshll.u32 s12, $0x8;
	[smem:$0x7FF] =	sst s4;
	s7 =	sshll.u32 s12, $0x10  }
0x6: {  	s8 =	sshll.u32 s12, $0xD;
	s19 =	sshll.u32 s12, $0x6;
	s20 =	sshll.u32 s12, $0xF  }
0x7: {  	s29 =	sshll.u32 s12, $0xC;
	s6 =	sshll.u32 s2, $0x7;
	_ =	strace $0x80000047  }
0x8: {  	s16 =	ssub.s32 $0x2, s2;
	s18 =	sadd.s32 s7, s3;
	s1 =	sadd.s32 s1, s8  }
0x9: {  	s21 =	sshll.u32 s2, $0xE;
	s2 =	sshll.u32 s2, $0xB;
	s8 =	simm.s32 $0x0  }
0xa: {  	s5 =	sor.u32 s6, s5;
	s17 =	sshrl.u32 s16, $0x1;
	[dreg:$0x5] =	wrdreg s1  }
0xb: {  	s1 =	sor.u32 $0x1C0D, s19;
	s22 =	sor.u32 s21, s20;
	s13 =	sor.u32 s2, s29  }
0xc: {  	s30 =	sshrl.u32 s18, $0x3;
	s18 =	simm.s32 $0x40;
	s19 =	simm.s32 $0x11C00  }
0xd: {  	s20 =	simm.s32 $0x13C00;
	s21 =	simm.s32 $0x15C00;
	s2 =	simm.s32 $0xA  }
0xe: {  	s6 =	simm.s32 $0x1BC00;
	s5 =	sshrl.u32 s5, $0x3;
	[dreg:$0x6] =	wrdreg s1  }
0xf: {  	s24 =	sor.u32 $0x82000, s22;
	s25 =	sor.u32 $0x80000, s22;
	s26 =	sor.u32 $0x2000, s22  }
0x10: {  	s12 =	sshrl.u32 s22, $0x3;
	[dreg:$0x9] =	wrdreg s30;
	s1 =	simm.s32 $0x8  }
0x11: {  	s22 =	simm.s32 $0x19C00;
	s0 =	sadd.s32 s5, s0;
	s5 =	ssub.s32 s16, s17  }
.Ltmp0:
0x12: {  	s9 =	sshrl.u32 s24, $0x3;
	s10 =	sshrl.u32 s25, $0x3;
	(pc) =	sbr.rel .LBB2_1-.Ltmp0, $4  }
0x13: {  	s11 =	sshrl.u32 s26, $0x3;
	s24 =	simm.s32 $0x1;
	s25 =	simm.s32 $0x2  }
0x14: {  	s26 =	simm.s32 $0x3;
	s17 =	simm.s32 $0x5;
	s0 =	sadd.s32 $0x400, s0  }
0x15: {  	s23 =	smax.u32 s5, $0x1;
	s5 =	simm.s32 $0x6;
	[dreg:$0x7] =	wrdreg s0  }
0x16: {  	[dreg:$0x8] =	wrdreg s23;
	s23 =	simm.s32 $0x17C00;
	s0 =	simm.s32 $0x9  }
.LBB2_4:
0x17: {  	_ =	swait.ge [sflag:s28], $0x2000  }
0x18: {  	[sflag:s28] =	ssyncset.done $0x0  }
0x19: {  	s7 =	simm.s32 $0xB;
	[sflag:s28] =	ssyncadd.s32 $0xFFFFE000  }
0x1a: {  	[hbm4b:s29+s4] =	stream.linear.scatter [tilespmem:s23], [sflag:$0xA], $0x2000, $0x38;
	[tilespmem:$0x1DC00] =	vst v63  }
0x1b: {  	_ =	swait.ge [sflag:s7], $0x2000  }
0x1c: {  	[sflag:s7] =	ssyncset.done $0x0  }
0x1d: {  	s29 =	simm.s32 $0xC;
	[sflag:s7] =	ssyncadd.s32 $0xFFFFE000  }
0x1e: {  	_ =	swait.ge [sflag:s29], $0x2000  }
0x1f: {  	[sflag:s29] =	ssyncset.done $0x0  }
0x20: {  	[sflag:s29] =	ssyncadd.s32 $0xFFFFE000  }
0x21: {  	_ =	swait.ge [sflag:s31], $0x2000  }
0x22: {  	[sflag:s31] =	ssyncset.done $0x0  }
0x23: {  	[sflag:s31] =	ssyncadd.s32 $0xFFFFE000  }
0x24: {  	_ =	swait.ge [sflag:s1], $0x2000  }
0x25: {  	[sflag:s1] =	ssyncset.done $0x0  }
0x26: {  	[sflag:s1] =	ssyncadd.s32 $0xFFFFE000  }
0x27: {  	_ =	swait.ge [sflag:s0], $0x2000  }
0x28: {  	[sflag:s0] =	ssyncset.done $0x0  }
0x29: {  	[sflag:s0] =	ssyncadd.s32 $0xFFFFE000  }
0x2a: {  	_ =	swait.ge [sflag:s2], $0x2000  }
0x2b: {  	s8 =	rddreg [dreg:$0xa]  }
0x2c: {  	s30 =	rddreg [dreg:$0x8];
	s8 =	sadd.s32 $0x1, s8  }
0x2d: {  	p0 =	sne.s32 s8, s30  }
.Ltmp1:
0x2e: {  	_ = 	snop;
	(pc) =	sbr.rel @!p0 .LBB2_5-.Ltmp1, $3  }
0x2f: {  	_ =	sdelay $0x1  }
0x30: {  	[sflag:s2] =	ssyncset.done $0x0  }
0x31: {  	[sflag:s2] =	ssyncadd.s32 $0xFFFFE000  }
.LBB2_1:
0x32: {  	[dreg:$0xa] =	wrdreg s8  }
0x33: {  	s7 =	rddreg [dreg:$0x5]  }
0x34: {  	s30 =	rddreg [dreg:$0x6]  }
0x35: {  	s14 =	rddreg [dreg:$0x9]  }
0x36: {  	[spmem:s14], [sflag:s30] =	dma.local [hbm:s7], $0x2000  }
0x37: {  	s14 =	simm.s32 $0xD  }
0x38: {  	_ =	swait.ge [sflag:s14], $0x2000  }
0x39: {  	s29 =	simm.s32 $0x80;
	[sflag:s14] =	ssyncset.done $0x0  }
0x3a: {  	s15 =	simm.s32 $0x1000;
	s16 =	rddreg [dreg:$0x7];
	[sflag:s14] =	ssyncadd.s32 $0xFFFFE000  }
0x3b: {  	[tilespmem:s4], [sflag:$0xD] =	stream.strided.gather [hbm4b:s16+s29], $0x1900, s15, s29, $0x38;
	[tilespmem:$0x1DC00] =	vst v63  }
0x3c: {  	_ =	swait.ge [sflag:s14], $0x1900  }
0x3d: {  	[sflag:s14] =	ssyncset.done $0x0  }
0x3e: {  	[sflag:s14] =	ssyncadd.s32 $0xFFFFE700  }
0x3f: {  	[bflag:$0x0] =	sbarrier.arrive $0xFFFF  }
0x40: {  	[tilespmem:s19], [sflag:$0x1] =	stream.indirect.gather [spmem:s3], $0x80, s4, s18, $0xb8;
	[tilespmem:$0x1DC00] =	vst v63  }
0x41: {  	_ = 	snop  }
0x42: {  	[tilespmem:s20], [sflag:$0x2] =	stream.indirect.gather [spmem:s3], $0x80, s18, s18, $0xb8;
	[tilespmem:$0x1DC00] =	vst v63  }
0x43: {  	s8 =	simm.s32 $0xFFFFFFFE  }
0x44: {  	[tilespmem:s21], [sflag:$0x3] =	stream.indirect.gather [spmem:s3], $0x80, s29, s18, $0xb8;
	[tilespmem:$0x1DC00] =	vst v63  }
0x45: {  	s30 =	simm.s32 $0xC0;
	s14 =	simm.s32 $0x0;
	s16 =	rddreg [dreg:$0x2]  }
0x46: {  	[tilespmem:s23], [sflag:$0x4] =	stream.indirect.gather [spmem:s3], $0x80, s30, s18, $0xb8;
	[tilespmem:$0x1DC00] =	vst v63  }
.LBB2_2:
0x47: {  	_ =	swait.ge [sflag:s24], $0x2000  }
0x48: {  	[sflag:s24] =	ssyncset.done $0x0  }
0x49: {  	s29 =	sadd.s32 s16, s12;
	p1 =	sgt.u32 s8, $0x5D;
	[sflag:s24] =	ssyncadd.s32 $0xFFFFE000  }
0x4a: {  	[hbm4b:s29+s4] =	stream.linear.scatter [tilespmem:s19], [sflag:$0x7], $0x2000, $0x38;
	[tilespmem:$0x1DC00] =	vst v63  }
0x4b: {  	s29 =	simm.s32 @!p1 $0xB  }
0x4c: {  	_ =	swait.ge @!p1 [sflag:s29], $0x2000  }
0x4d: {  	p0 =	seq.s32 s14, $0x6000;
	[sflag:s29] =	ssyncset.done @!p1 $0x0  }
0x4e: {  	[sflag:s29] =	ssyncadd.s32 @!p1 $0xFFFFE000;
	s29 =	sshra.s32 @!p0 s14, $0x2  }
0x4f: {  	s15 =	simm.s32 @!p0 $0x40;
	s7 =	simm.s32 @!p0 $0x19C00;
	s30 =	sadd.s32 @!p0 $0x100, s29  }
0x50: {  	[tilespmem:s7], [sflag:$0x5] =	stream.indirect.gather @!p0 [spmem:s3], $0x80, s30, s15, $0xb8;
	[tilespmem:$0x1DC00] =	vst v63  }
0x51: {  	_ =	swait.ge [sflag:s25], $0x2000  }
0x52: {  	[sflag:s25] =	ssyncset.done $0x0  }
0x53: {  	s30 =	sadd.s32 s16, s11;
	s7 =	simm.s32 @!p1 $0xC;
	[sflag:s25] =	ssyncadd.s32 $0xFFFFE000  }
0x54: {  	[hbm4b:s30+s4] =	stream.linear.scatter [tilespmem:s20], [sflag:$0x8], $0x2000, $0x38;
	[tilespmem:$0x1DC00] =	vst v63  }
0x55: {  	_ =	swait.ge @!p1 [sflag:s7], $0x2000  }
0x56: {  	[sflag:s7] =	ssyncset.done @!p1 $0x0  }
0x57: {  	[sflag:s7] =	ssyncadd.s32 @!p1 $0xFFFFE000;
	s7 =	sadd.s32 @!p0 $0x140, s29;
	s29 =	simm.s32 @!p0 $0x1BC00  }
0x58: {  	[tilespmem:s29], [sflag:$0x6] =	stream.indirect.gather @!p0 [spmem:s3], $0x80, s7, s15, $0xb8;
	[tilespmem:$0x1DC00] =	vst v63  }
.Ltmp2:
0x59: {  	_ = 	snop;
	(pc) =	sbr.rel @p0 .LBB2_4-.Ltmp2, $4  }
0x5a: {  	_ =	swait.ge [sflag:s26], $0x2000  }
0x5b: {  	[sflag:s26] =	ssyncset.done $0x0  }
0x5c: {  	s30 =	sadd.s32 s16, s10;
	s29 =	sadd.s32 s16, s9;
	[sflag:s26] =	ssyncadd.s32 $0xFFFFE000  }
0x5d: {  	[hbm4b:s30+s4] =	stream.linear.scatter [tilespmem:s21], [sflag:$0x9], $0x2000, $0x38;
	[tilespmem:$0x1DC00] =	vst v63  }
0x5e: {  	_ =	swait.ge [sflag:s31], $0x2000  }
0x5f: {  	s7 =	sshra.s32 s14, $0x2;
	[sflag:s31] =	ssyncset.done $0x0  }
0x60: {  	s15 =	sadd.s32 $0x180, s7;
	[sflag:s31] =	ssyncadd.s32 $0xFFFFE000  }
0x61: {  	[tilespmem:s19], [sflag:$0x1] =	stream.indirect.gather [spmem:s3], $0x80, s15, s18, $0xb8;
	[tilespmem:$0x1DC00] =	vst v63  }
0x62: {  	_ =	swait.ge [sflag:s28], $0x2000  }
0x63: {  	[sflag:s28] =	ssyncset.done $0x0  }
0x64: {  	[sflag:s28] =	ssyncadd.s32 $0xFFFFE000  }
0x65: {  	[hbm4b:s29+s4] =	stream.linear.scatter [tilespmem:s23], [sflag:$0xA], $0x2000, $0x38;
	[tilespmem:$0x1DC00] =	vst v63  }
0x66: {  	_ =	swait.ge [sflag:s1], $0x2000  }
0x67: {  	[sflag:s1] =	ssyncset.done $0x0  }
0x68: {  	s29 =	sadd.s32 $0x1C0, s7;
	[sflag:s1] =	ssyncadd.s32 $0xFFFFE000  }
0x69: {  	[tilespmem:s20], [sflag:$0x2] =	stream.indirect.gather [spmem:s3], $0x80, s29, s18, $0xb8;
	[tilespmem:$0x1DC00] =	vst v63  }
0x6a: {  	_ =	swait.ge [sflag:s17], $0x2000  }
0x6b: {  	s15 =	sadd.s32 s16, s13;
	[sflag:s17] =	ssyncset.done $0x0  }
0x6c: {  	s30 =	sadd.s32 $0x20000, s15;
	[sflag:s17] =	ssyncadd.s32 $0xFFFFE000  }
0x6d: {  	[hbm4b:s30+s4] =	stream.linear.scatter [tilespmem:s22], [sflag:$0xB], $0x2000, $0x38;
	[tilespmem:$0x1DC00] =	vst v63  }
0x6e: {  	_ =	swait.ge [sflag:s0], $0x2000  }
0x6f: {  	[sflag:s0] =	ssyncset.done $0x0  }
0x70: {  	s30 =	sadd.s32 $0x200, s7;
	[sflag:s0] =	ssyncadd.s32 $0xFFFFE000  }
0x71: {  	[tilespmem:s21], [sflag:$0x3] =	stream.indirect.gather [spmem:s3], $0x80, s30, s18, $0xb8;
	[tilespmem:$0x1DC00] =	vst v63  }
0x72: {  	_ =	swait.ge [sflag:s5], $0x2000  }
0x73: {  	[sflag:s5] =	ssyncset.done $0x0  }
0x74: {  	s15 =	sadd.s32 $0x20400, s15;
	[sflag:s5] =	ssyncadd.s32 $0xFFFFE000  }
0x75: {  	[hbm4b:s15+s4] =	stream.linear.scatter [tilespmem:s6], [sflag:$0xC], $0x2000, $0x38;
	[tilespmem:$0x1DC00] =	vst v63  }
.Ltmp3:
0x76: {  	_ = 	snop;
	(pc) =	sbr.rel .LBB2_2-.Ltmp3, $4  }
0x77: {  	_ =	swait.ge [sflag:s2], $0x2000  }
0x78: {  	s14 =	sadd.s32 $0x600, s14;
	s8 =	sadd.s32 $0x6, s8;
	[sflag:s2] =	ssyncset.done $0x0  }
0x79: {  	s16 =	sadd.s32 $0x30000, s16;
	s7 =	sadd.s32 $0x240, s7;
	[sflag:s2] =	ssyncadd.s32 $0xFFFFE000  }
0x7a: {  	[tilespmem:s23], [sflag:$0x4] =	stream.indirect.gather [spmem:s3], $0x80, s7, s18, $0xb8;
	[tilespmem:$0x1DC00] =	vst v63  }
.LBB2_5:
0x7b: {  	_ =	sfence.sel $0x180000  }
0x7c: {  	[bflag:$0x0] =	sbarrier.arrive $0xFFFF  }
0x7d: {  	_ =	strace $0x90000047  }
0x7e: {  	s0 =	stileid.u32;
	[bflag:$0x2] =	sbarrier.arrive $0xFFFF  }
0x7f: {  	p0 =	sne.s32 s0, $0x0;
	s0 =	rddreg [dreg:$0x4]  }
0x80: {  	s0 =	sadd.s32 @!p0 $0x100000, s0  }
0x81: {  	[sflag:s0] =	ssyncadd.tile.s32 @!p0 $0x1;
	_ =	shalt  }
.Lfunc_end2:
_tile_overlayer_lowered:
.L_overlay_start_2:
0x82: {  	(tag) =	ssettag $0x2  }
0x83: {  	s0 =	rddreg [dreg:$0x0];
	s2 =	stileid.u32  }
0x84: {  	s1 =	rddreg [dreg:$0x1];
	p0 =	sne.s32 s2, $0x0  }
0x85: {  	s3 =	rddreg [dreg:$0x2];
	[bflag:$0x3] =	sbarrier.arrive $0xFFFF;
	s2 =	simm.s32 @!p0 $0x1C0D  }
0x86: {  	[timem:s3], [sflag:s2] =	dma.local @!p0 [hbm:s0], s1  }
0x87: {  	s0 =	simm.s32 @!p0 $0xD  }
0x88: {  	_ =	swait.ge @!p0 [sflag:s0], s1  }
0x89: {  	s1 =	ssub.s32 @!p0 $0x0, s1;
	[sflag:s0] =	ssyncset.done @!p0 $0x0  }
0x8a: {  	[sflag:s0] =	ssyncadd.s32 @!p0 s1  }
0x8b: {  	[bflag:$0x3] =	sbarrier.arrive $0xFFFF  }
0x8c: {  	_ =	shalt  }

</sc_bundles>
